<compile_context>
chip_gen: v7x
topology: tpu7x:2x2x1
jax: 0.10.2.dev20260603
libtpu: 0.0.44.dev20260713+nightly
codegen_flags: <defaults>
</compile_context>

<pallas_src>
import functools

import jax
import jax.numpy as jnp
from jax import lax
from jax.experimental import pallas as pl
from jax.experimental.pallas import tpu as pltpu
from jax.experimental.pallas import tpu_sc as plsc

N = 10000
E = 320000
D = 128
KW = 4

NC = 2
NS = 16
NW = NC * NS
L = 16

CH = 128
GC = 64
EPB = 9984
XTRA = 4
NCHB = EPB // CH
NTOTB = 2 * NCHB
EPMAX = EPB + CH
NGB = 4
RA = 624
TAIL = N - NS * RA

_mesh = plsc.VectorSubcoreMesh(core_axis_name="c", subcore_axis_name="s")
_sc_params = pltpu.CompilerParams(needs_layout_passes=False)


@functools.partial(
    pl.kernel,
    mesh=_mesh,
    out_type=jax.ShapeDtypeStruct((NW * N,), jnp.float32),
    scratch_types=[
        pltpu.VMEM((2, EPMAX), jnp.int32),
        pltpu.VMEM((N,), jnp.float32),
        pltpu.SemaphoreType.DMA,
        pltpu.SemaphoreType.DMA,
    ],
    compiler_params=_sc_params,
)
def _deg_kernel(ei_hbm, out_hbm, edges_v, hist_v, sem, semx):
    c = lax.axis_index("c")
    s = lax.axis_index("s")
    wid = s * NC + c
    eoff = wid * EPB + jnp.minimum(wid, XTRA) * CH
    nch = NCHB + jnp.where(wid < XTRA, 1, 0)

    cp = pltpu.async_copy(ei_hbm.at[:, pl.ds(eoff, EPB)],
                          edges_v.at[:, pl.ds(0, EPB)], sem)

    @pl.when(wid < XTRA)
    def _():
        pltpu.async_copy(ei_hbm.at[:, pl.ds(eoff + EPB, CH)],
                         edges_v.at[:, pl.ds(EPB, CH)], semx).wait()

    zeros16 = jnp.zeros((L,), jnp.float32)
    ones16 = jnp.ones((L,), jnp.float32)

    def zero_body(i, _):
        hist_v[pl.ds(i * L, L)] = zeros16
        return 0

    lax.fori_loop(0, N // L, zero_body, 0)
    cp.wait()

    def chunk_body(i, _):
        for j in range(CH // L):
            idx = edges_v[1, pl.ds(i * CH + j * L, L)]
            plsc.addupdate_scatter(hist_v, [idx], ones16)
        return 0

    lax.fori_loop(0, nch, chunk_body, 0)
    pltpu.sync_copy(hist_v, out_hbm.at[pl.ds(wid * N, N)])


def _prep_body(hists_ref, x_ref, y_ref, dinv_ref):
    deg = jnp.sum(hists_ref[...], axis=0) + 1.0
    dinv = lax.rsqrt(deg)
    y_ref[...] = x_ref[...] * dinv[:, None]
    dinv_ref[...] = dinv[:, None]


_prep = pl.pallas_call(
    _prep_body,
    out_shape=[
        jax.ShapeDtypeStruct((N, D), jnp.float32),
        jax.ShapeDtypeStruct((N, 1), jnp.float32),
    ],
)


@functools.partial(
    pl.kernel,
    mesh=_mesh,
    out_type=jax.ShapeDtypeStruct((NC, N, D), jnp.float32),
    scratch_types=[
        pltpu.VMEM((EPMAX,), jnp.int32),
        [pltpu.VMEM((2, CH), jnp.int32) for _ in range(2)],
        [pltpu.VMEM((GC,), jnp.int32) for _ in range(NGB)],
        [pltpu.VMEM((GC, D), jnp.float32) for _ in range(NGB)],
        pltpu.VMEM_SHARED((N, D), jnp.float32),
        pltpu.SemaphoreType.DMA,
        pltpu.SemaphoreType.DMA,
        [pltpu.SemaphoreType.DMA for _ in range(2)],
        [pltpu.SemaphoreType.DMA for _ in range(NGB)],
        [pltpu.SemaphoreType.DMA for _ in range(NGB)],
    ],
    compiler_params=_sc_params,
)
def _agg_kernel(y_hbm, ei_hbm, out_hbm, srcs_v, dbufs, didx, rows,
                accum, si0, si1, sds, sgs, sws):
    c = lax.axis_index("c")
    s = lax.axis_index("s")
    wid = s * NC + c
    base = s * RA
    eoff = wid * EPB + jnp.minimum(wid, XTRA) * CH
    ntot = NTOTB + jnp.where(wid < XTRA, 2, 0)

    cp_src = pltpu.async_copy(ei_hbm.at[0, pl.ds(eoff, EPB)],
                              srcs_v.at[pl.ds(0, EPB)], si0)

    @pl.when(wid < XTRA)
    def _():
        pltpu.async_copy(ei_hbm.at[0, pl.ds(eoff + EPB, CH)],
                         srcs_v.at[pl.ds(EPB, CH)], si1).wait()

    @pl.when(c == 0)
    def _():
        pltpu.sync_copy(y_hbm.at[pl.ds(base, RA)], accum.at[pl.ds(base, RA)])

        @pl.when(s == 0)
        def _():
            pltpu.sync_copy(y_hbm.at[pl.ds(NS * RA, TAIL)],
                            accum.at[pl.ds(NS * RA, TAIL)])

    @pl.when(c != 0)
    def _():
        zeros16 = jnp.zeros((L,), jnp.float32)

        def zfill(t, _):
            rows[0][t // (D // L), pl.ds((t % (D // L)) * L, L)] = zeros16
            return 0

        lax.fori_loop(0, GC * (D // L), zfill, 0)

        def zcopy(r, _):
            pltpu.sync_copy(rows[0],
                            accum.at[pl.ds(base + r * GC, GC)])
            return 0

        lax.fori_loop(0, RA // GC, zcopy, 0)
        pltpu.sync_copy(rows[0].at[pl.ds(0, RA - (RA // GC) * GC)],
                        accum.at[pl.ds(base + (RA // GC) * GC,
                                       RA - (RA // GC) * GC)])

        @pl.when(s == 0)
        def _():
            pltpu.sync_copy(rows[0].at[pl.ds(0, TAIL)],
                            accum.at[pl.ds(NS * RA, TAIL)])

    cp_src.wait()

    def pair_dma(q, b):
        pltpu.async_copy(ei_hbm.at[:, pl.ds(eoff + q * CH, CH)], dbufs[b],
                         sds[b])

    def pair_wait(b):
        pltpu.make_async_copy(ei_hbm.at[:, pl.ds(0, CH)], dbufs[b],
                              sds[b]).wait()

    def didx_copy(b, h, m):
        for v in range(GC // L):
            didx[m][pl.ds(v * L, L)] = dbufs[b][1, pl.ds(h * GC + v * L, L)]

    def gather(i, m):
        pltpu.async_copy(y_hbm.at[srcs_v.at[pl.ds(i * GC, GC)]], rows[m],
                         sgs[m])

    def gather_wait(m):
        pltpu.make_async_copy(y_hbm.at[pl.ds(0, GC)], rows[m], sgs[m]).wait()

    def scatter_start(m):
        pltpu.async_copy(rows[m], accum.at[didx[m]], sws[m], add=True)

    def scatter_wait(m):
        pltpu.make_async_copy(y_hbm.at[pl.ds(0, GC)], rows[m], sws[m]).wait()

    pair_dma(0, 0)
    pair_dma(1, 1)
    pair_wait(0)
    didx_copy(0, 0, 0)
    didx_copy(0, 1, 1)
    pair_wait(1)
    didx_copy(1, 0, 2)
    didx_copy(1, 1, 3)
    pair_dma(2, 0)
    pair_dma(3, 1)
    for m in range(NGB):
        gather(m, m)

    plsc.subcore_barrier()

    def round_body(p, _):
        for j in range(NGB):
            k = p * NGB + j
            jp = (j - 1) % NGB

            @pl.when(jnp.logical_and(k > 0, k + 3 < ntot))
            def _():
                c = k + 3
                scatter_wait(jp)

                if j % 2 == 1:
                    b = ((j + 3) // 2) % 2
                    pair_wait(b)
                    didx_copy(b, 0, jp)
                else:
                    b = ((j + 2) // 2) % 2
                    didx_copy(b, 1, jp)

                    @pl.when((c + 3) // 2 < ntot // 2)
                    def _():
                        pair_dma((c + 3) // 2, b)

                gather(c, jp)

            gather_wait(j)
            scatter_start(j)

        return 0

    lax.fori_loop(0, NTOTB // NGB, round_body, 0)

    @pl.when(wid < XTRA)
    def _():
        for t in range(2):
            gather_wait(t)
            scatter_start(t)

    for m in range(NGB):
        scatter_wait(m)

    plsc.subcore_barrier()

    pltpu.sync_copy(accum.at[pl.ds(base, RA)],
                    out_hbm.at[c, pl.ds(base, RA)])

    @pl.when(s == 0)
    def _():
        pltpu.sync_copy(accum.at[pl.ds(NS * RA, TAIL)],
                        out_hbm.at[c, pl.ds(NS * RA, TAIL)])


def _out_body(a_ref, dinv_ref, w_ref, b_ref, o_ref):
    t = (a_ref[0] + a_ref[1]) * dinv_ref[...]
    acc = None
    for k in range(KW):
        f = jnp.dot(t, w_ref[k], preferred_element_type=jnp.float32)
        f = jnp.maximum(f + b_ref[k][None, :], 0.0)
        acc = f if acc is None else acc + f
    o_ref[...] = acc


_BN = 2000

_out = pl.pallas_call(
    _out_body,
    grid=(N // _BN,),
    in_specs=[
        pl.BlockSpec((NC, _BN, D), lambda i: (0, i, 0)),
        pl.BlockSpec((_BN, 1), lambda i: (i, 0)),
        pl.BlockSpec((KW, D, D), lambda i: (0, 0, 0)),
        pl.BlockSpec((KW, D), lambda i: (0, 0)),
    ],
    out_specs=pl.BlockSpec((_BN, D), lambda i: (i, 0)),
    out_shape=jax.ShapeDtypeStruct((N, D), jnp.float32),
)


@jax.jit
def kernel(x, edge_index, W, b):
    hists = _deg_kernel(edge_index).reshape(NW, N)
    y, dinv = _prep(hists, x)
    partials = _agg_kernel(y, edge_index)
    return _out(partials, dinv, W, b)

# --- scband reference (transcript-rebuilt; emitter-appended) ---
"""Pipeline reference for scband-mkgc-60078002536517 (READ-ONLY COPY).

The authoritative reference and input builder live on the scoring server;
editing this copy changes nothing except your own understanding.
"""

import jax, jax.numpy as jnp
import numpy as np

N = 10000
E = 320000
D = 128
K = 4


def setup_inputs(seed: int = 0) -> dict:
    key = jax.random.key(seed)
    k1, k2, k3 = jax.random.split(key, 3)
    x = jax.random.normal(k1, (N, D), dtype=jnp.float32)
    edge_index = jax.random.randint(k2, (2, E), 0, N, dtype=jnp.int32)
    W = jax.random.normal(k3, (K, D, D), dtype=jnp.float32) * (1.0 / np.sqrt(D))
    b = jnp.zeros((K, D), dtype=jnp.float32)
    return {"x": x, "edge_index": edge_index, "W": W, "b": b}


def _gcn_conv(x, src, dst, norm, W, b):
    # PyG GCNConv: linear transform, symmetric-normalized scatter-add aggregation, bias
    xw = x @ W
    msg = xw[src] * norm[:, None]
    out = jnp.zeros_like(xw).at[dst].add(msg)
    return out + b


def reference(x, edge_index, W, b):
    num_nodes = x.shape[0]
    # add self loops (GCNConv default add_self_loops=True)
    loop = jnp.arange(num_nodes, dtype=edge_index.dtype)
    src = jnp.concatenate([edge_index[0], loop])
    dst = jnp.concatenate([edge_index[1], loop])
    # symmetric normalization: deg^-1/2[src] * deg^-1/2[dst], deg over dst with unit edge weights
    deg = jnp.zeros((num_nodes,), dtype=x.dtype).at[dst].add(1.0)
    dinv = jnp.where(deg > 0, deg ** -0.5, 0.0)
    norm = dinv[src] * dinv[dst]
    total = None
    for i in range(W.shape[0]):
        feat = _gcn_conv(x, src, dst, norm, W[i], b[i])
        feat = jax.nn.relu(feat)
        total = feat if total is None else total + feat
    return total

if __name__ == "__main__":
    import jax
    _d = setup_inputs()
    print(jax.jit(kernel)(*tuple(_d.values())))

</pallas_src>

<mosaic_0001>
#map = affine_map<(d0, d1) -> (0, 0)>
#map1 = affine_map<(d0, d1) -> (0, 0, 0)>
module attributes {stable_mosaic.version = 14 : i64} {
  func.func @_agg_kernel(%arg0: i32, %arg1: i32, %arg2: memref<10000x128xf32, #tpu.memory_space<hbm>>, %arg3: memref<2x320000xi32, #tpu.memory_space<hbm>>, %arg4: memref<2x10000x128xf32, #tpu.memory_space<hbm>>, %arg5: memref<10112xi32, #tpu.memory_space<vmem>>, %arg6: memref<2x128xi32, #tpu.memory_space<vmem>>, %arg7: memref<2x128xi32, #tpu.memory_space<vmem>>, %arg8: memref<64xi32, #tpu.memory_space<vmem>>, %arg9: memref<64xi32, #tpu.memory_space<vmem>>, %arg10: memref<64xi32, #tpu.memory_space<vmem>>, %arg11: memref<64xi32, #tpu.memory_space<vmem>>, %arg12: memref<64x128xf32, #tpu.memory_space<vmem>>, %arg13: memref<64x128xf32, #tpu.memory_space<vmem>>, %arg14: memref<64x128xf32, #tpu.memory_space<vmem>>, %arg15: memref<64x128xf32, #tpu.memory_space<vmem>>, %arg16: memref<10000x128xf32, #tpu.memory_space<vmem_shared>>, %arg17: memref<!tpu.dma_semaphore, #tpu.memory_space<semaphore_mem>>, %arg18: memref<!tpu.dma_semaphore, #tpu.memory_space<semaphore_mem>>, %arg19: memref<!tpu.dma_semaphore, #tpu.memory_space<semaphore_mem>>, %arg20: memref<!tpu.dma_semaphore, #tpu.memory_space<semaphore_mem>>, %arg21: memref<!tpu.dma_semaphore, #tpu.memory_space<semaphore_mem>>, %arg22: memref<!tpu.dma_semaphore, #tpu.memory_space<semaphore_mem>>, %arg23: memref<!tpu.dma_semaphore, #tpu.memory_space<semaphore_mem>>, %arg24: memref<!tpu.dma_semaphore, #tpu.memory_space<semaphore_mem>>, %arg25: memref<!tpu.dma_semaphore, #tpu.memory_space<semaphore_mem>>, %arg26: memref<!tpu.dma_semaphore, #tpu.memory_space<semaphore_mem>>, %arg27: memref<!tpu.dma_semaphore, #tpu.memory_space<semaphore_mem>>, %arg28: memref<!tpu.dma_semaphore, #tpu.memory_space<semaphore_mem>>) attributes {dimension_semantics = [#tpu.dimension_semantics<core_parallel>, #tpu.dimension_semantics<subcore_parallel>], iteration_bounds = array<i64: 2, 16>, scalar_prefetch = 0 : i64, scratch_operands = 24 : i64, tpu.core_type = #tpu.core_type<sc_vector_subcore>, window_params = [{transform_indices = #map}, {transform_indices = #map}, {transform_indices = #map1}]} {
    %mul3A = arith.constant 2 : i32
    %mul3A_0 = arith.muli %arg1, %mul3A : i32
    %add3A = arith.addi %mul3A_0, %arg0 : i32
    %mul3A_1 = arith.constant 624 : i32
    %mul3A_2 = arith.muli %arg1, %mul3A_1 : i32
    %mul3A_3 = arith.constant 9984 : i32
    %mul3A_4 = arith.muli %add3A, %mul3A_3 : i32
    %min3A = arith.constant 4 : i32
    %min3A_5 = arith.minsi %add3A, %min3A : i32
    %mul3A_6 = arith.constant 128 : i32
    %mul3A_7 = arith.muli %min3A_5, %mul3A_6 : i32
    %add3A_8 = arith.addi %mul3A_4, %mul3A_7 : i32
    %lt3A = arith.constant 4 : i32
    %lt3A_9 = arith.cmpi slt, %add3A, %lt3A : i32
    %jit3A = arith.constant 2 : i32
    %jit3A_10 = arith.constant 0 : i32
    %select_n3A = arith.select %lt3A_9, %jit3A, %jit3A_10 : i32
    %add3A_11 = arith.constant 156 : i32
    %add3A_12 = arith.addi %add3A_11, %select_n3A : i32
    %dma_start3A = arith.constant 0 : i32
    %dma_start3A_13 = arith.constant 0 : i32
    %dma_start3A_14 = tpu.memref_slice %arg5[%dma_start3A_13] : memref<10112xi32, #tpu.memory_space<vmem>> -> memref<9984xi32, #tpu.memory_space<vmem>>
    %dma_start3A_15 = tpu.memref_slice %arg3[%dma_start3A, %add3A_8] : memref<2x320000xi32, #tpu.memory_space<hbm>> -> memref<1x9984xi32, #tpu.memory_space<hbm>>
    %dma_start3A_16 = tpu.memref_squeeze %dma_start3A_15 : memref<1x9984xi32, #tpu.memory_space<hbm>> -> memref<9984xi32, #tpu.memory_space<hbm>>
    %dma_start3A_17 = arith.constant 0 : i32
    %dma_start3A_18 = tpu.memref_slice %arg5[%dma_start3A_17] : memref<10112xi32, #tpu.memory_space<vmem>> -> memref<9984xi32, #tpu.memory_space<vmem>>
    %dma_start3A_19 = tpu.memref_slice %arg3[%dma_start3A, %add3A_8] : memref<2x320000xi32, #tpu.memory_space<hbm>> -> memref<1x9984xi32, #tpu.memory_space<hbm>>
    %dma_start3A_20 = tpu.memref_squeeze %dma_start3A_19 : memref<1x9984xi32, #tpu.memory_space<hbm>> -> memref<9984xi32, #tpu.memory_space<hbm>>
    tpu.enqueue_dma source(%dma_start3A_20 : memref<9984xi32, #tpu.memory_space<hbm>>) target(%dma_start3A_18 : memref<9984xi32, #tpu.memory_space<vmem>>) target_semaphore(%arg17 : memref<!tpu.dma_semaphore, #tpu.memory_space<semaphore_mem>>)
    %lt3A_21 = arith.constant 4 : i32
    %lt3A_22 = arith.cmpi slt, %add3A, %lt3A_21 : i32
    %convert_element_type3A = arith.extui %lt3A_22 : i1 to i32
    %cond3A = arith.constant 0 : i32
    %cond3A_23 = arith.cmpi ne, %convert_element_type3A, %cond3A : i32
    scf.if %cond3A_23 {
      %add3A_231 = arith.constant 9984 : i32
      %add3A_232 = arith.addi %add3A_8, %add3A_231 : i32
      %dma_start3A_233 = arith.constant 0 : i32
      %dma_start3A_234 = arith.constant 9984 : i32
      %dma_start3A_235 = tpu.memref_slice %arg5[%dma_start3A_234] : memref<10112xi32, #tpu.memory_space<vmem>> -> memref<128xi32, #tpu.memory_space<vmem>>
      %dma_start3A_236 = tpu.memref_slice %arg3[%dma_start3A_233, %add3A_232] : memref<2x320000xi32, #tpu.memory_space<hbm>> -> memref<1x128xi32, #tpu.memory_space<hbm>>
      %dma_start3A_237 = tpu.memref_squeeze %dma_start3A_236 : memref<1x128xi32, #tpu.memory_space<hbm>> -> memref<128xi32, #tpu.memory_space<hbm>>
      %dma_start3A_238 = arith.constant 9984 : i32
      %dma_start3A_239 = tpu.memref_slice %arg5[%dma_start3A_238] : memref<10112xi32, #tpu.memory_space<vmem>> -> memref<128xi32, #tpu.memory_space<vmem>>
      %dma_start3A_240 = tpu.memref_slice %arg3[%dma_start3A_233, %add3A_232] : memref<2x320000xi32, #tpu.memory_space<hbm>> -> memref<1x128xi32, #tpu.memory_space<hbm>>
      %dma_start3A_241 = tpu.memref_squeeze %dma_start3A_240 : memref<1x128xi32, #tpu.memory_space<hbm>> -> memref<128xi32, #tpu.memory_space<hbm>>
      tpu.enqueue_dma source(%dma_start3A_241 : memref<128xi32, #tpu.memory_space<hbm>>) target(%dma_start3A_239 : memref<128xi32, #tpu.memory_space<vmem>>) target_semaphore(%arg18 : memref<!tpu.dma_semaphore, #tpu.memory_space<semaphore_mem>>)
      %dma_wait3A_242 = arith.constant 0 : i32
      %dma_wait3A_243 = arith.constant 9984 : i32
      %dma_wait3A_244 = tpu.memref_slice %arg5[%dma_wait3A_243] : memref<10112xi32, #tpu.memory_space<vmem>> -> memref<128xi32, #tpu.memory_space<vmem>>
      %dma_wait3A_245 = tpu.memref_slice %arg3[%dma_wait3A_242, %add3A_232] : memref<2x320000xi32, #tpu.memory_space<hbm>> -> memref<1x128xi32, #tpu.memory_space<hbm>>
      %dma_wait3A_246 = tpu.memref_squeeze %dma_wait3A_245 : memref<1x128xi32, #tpu.memory_space<hbm>> -> memref<128xi32, #tpu.memory_space<hbm>>
      %dma_wait3A_247 = arith.constant 9984 : i32
      %dma_wait3A_248 = tpu.memref_slice %arg5[%dma_wait3A_247] : memref<10112xi32, #tpu.memory_space<vmem>> -> memref<128xi32, #tpu.memory_space<vmem>>
      %dma_wait3A_249 = tpu.memref_slice %arg3[%dma_wait3A_242, %add3A_232] : memref<2x320000xi32, #tpu.memory_space<hbm>> -> memref<1x128xi32, #tpu.memory_space<hbm>>
      %dma_wait3A_250 = tpu.memref_squeeze %dma_wait3A_249 : memref<1x128xi32, #tpu.memory_space<hbm>> -> memref<128xi32, #tpu.memory_space<hbm>>
      tpu.wait_dma2 semaphore(%arg18 : memref<!tpu.dma_semaphore, #tpu.memory_space<semaphore_mem>>) src(%dma_wait3A_250 : memref<128xi32, #tpu.memory_space<hbm>>) dst(%dma_wait3A_248 : memref<128xi32, #tpu.memory_space<vmem>>)
    } else {
    }
    %eq3A = arith.constant 0 : i32
    %eq3A_24 = arith.cmpi eq, %arg0, %eq3A : i32
    %convert_element_type3A_25 = arith.extui %eq3A_24 : i1 to i32
    %cond3A_26 = arith.constant 0 : i32
    %cond3A_27 = arith.cmpi ne, %convert_element_type3A_25, %cond3A_26 : i32
    scf.if %cond3A_27 {
      "tpu.region"() ({
        %run_scoped3A = tpu.sem_alloc : memref<!tpu.dma_semaphore, #tpu.memory_space<semaphore_mem>>
        %dma_start3A_236 = arith.constant 0 : i32
        %dma_start3A_237 = tpu.memref_slice %arg16[%mul3A_2, %dma_start3A_236] : memref<10000x128xf32, #tpu.memory_space<vmem_shared>> -> memref<624x128xf32, #tpu.memory_space<vmem_shared>>
        %dma_start3A_238 = arith.constant 0 : i32
        %dma_start3A_239 = tpu.memref_slice %arg2[%mul3A_2, %dma_start3A_238] : memref<10000x128xf32, #tpu.memory_space<hbm>> -> memref<624x128xf32, #tpu.memory_space<hbm>>
        tpu.enqueue_dma source(%dma_start3A_239 : memref<624x128xf32, #tpu.memory_space<hbm>>) target(%dma_start3A_237 : memref<624x128xf32, #tpu.memory_space<vmem_shared>>) target_semaphore(%run_scoped3A : memref<!tpu.dma_semaphore, #tpu.memory_space<semaphore_mem>>)
        %dma_wait3A_240 = arith.constant 0 : i32
        %dma_wait3A_241 = tpu.memref_slice %arg16[%mul3A_2, %dma_wait3A_240] : memref<10000x128xf32, #tpu.memory_space<vmem_shared>> -> memref<624x128xf32, #tpu.memory_space<vmem_shared>>
        %dma_wait3A_242 = arith.constant 0 : i32
        %dma_wait3A_243 = tpu.memref_slice %arg2[%mul3A_2, %dma_wait3A_242] : memref<10000x128xf32, #tpu.memory_space<hbm>> -> memref<624x128xf32, #tpu.memory_space<hbm>>
        tpu.wait_dma2 semaphore(%run_scoped3A : memref<!tpu.dma_semaphore, #tpu.memory_space<semaphore_mem>>) src(%dma_wait3A_243 : memref<624x128xf32, #tpu.memory_space<hbm>>) dst(%dma_wait3A_241 : memref<624x128xf32, #tpu.memory_space<vmem_shared>>)
        tpu.yield
      }) : () -> ()
      %eq3A_231 = arith.constant 0 : i32
      %eq3A_232 = arith.cmpi eq, %arg1, %eq3A_231 : i32
      %convert_element_type3A_233 = arith.extui %eq3A_232 : i1 to i32
      %cond3A_234 = arith.constant 0 : i32
      %cond3A_235 = arith.cmpi ne, %convert_element_type3A_233, %cond3A_234 : i32
      scf.if %cond3A_235 {
        "tpu.region"() ({
          %run_scoped3A = tpu.sem_alloc : memref<!tpu.dma_semaphore, #tpu.memory_space<semaphore_mem>>
          %dma_start3A_236 = arith.constant 9984 : i32
          %dma_start3A_237 = arith.constant 0 : i32
          %dma_start3A_238 = tpu.memref_slice %arg16[%dma_start3A_236, %dma_start3A_237] : memref<10000x128xf32, #tpu.memory_space<vmem_shared>> -> memref<16x128xf32, #tpu.memory_space<vmem_shared>>
          %dma_start3A_239 = arith.constant 9984 : i32
          %dma_start3A_240 = arith.constant 0 : i32
          %dma_start3A_241 = tpu.memref_slice %arg2[%dma_start3A_239, %dma_start3A_240] : memref<10000x128xf32, #tpu.memory_space<hbm>> -> memref<16x128xf32, #tpu.memory_space<hbm>>
          tpu.enqueue_dma source(%dma_start3A_241 : memref<16x128xf32, #tpu.memory_space<hbm>>) target(%dma_start3A_238 : memref<16x128xf32, #tpu.memory_space<vmem_shared>>) target_semaphore(%run_scoped3A : memref<!tpu.dma_semaphore, #tpu.memory_space<semaphore_mem>>)
          %dma_wait3A_242 = arith.constant 9984 : i32
          %dma_wait3A_243 = arith.constant 0 : i32
          %dma_wait3A_244 = tpu.memref_slice %arg16[%dma_wait3A_242, %dma_wait3A_243] : memref<10000x128xf32, #tpu.memory_space<vmem_shared>> -> memref<16x128xf32, #tpu.memory_space<vmem_shared>>
          %dma_wait3A_245 = arith.constant 9984 : i32
          %dma_wait3A_246 = arith.constant 0 : i32
          %dma_wait3A_247 = tpu.memref_slice %arg2[%dma_wait3A_245, %dma_wait3A_246] : memref<10000x128xf32, #tpu.memory_space<hbm>> -> memref<16x128xf32, #tpu.memory_space<hbm>>
          tpu.wait_dma2 semaphore(%run_scoped3A : memref<!tpu.dma_semaphore, #tpu.memory_space<semaphore_mem>>) src(%dma_wait3A_247 : memref<16x128xf32, #tpu.memory_space<hbm>>) dst(%dma_wait3A_244 : memref<16x128xf32, #tpu.memory_space<vmem_shared>>)
          tpu.yield
        }) : () -> ()
      } else {
      }
    } else {
    }
    %ne3A = arith.constant 0 : i32
    %ne3A_28 = arith.cmpi ne, %arg0, %ne3A : i32
    %convert_element_type3A_29 = arith.extui %ne3A_28 : i1 to i32
    %cond3A_30 = arith.constant 0 : i32
    %cond3A_31 = arith.cmpi ne, %convert_element_type3A_29, %cond3A_30 : i32
    scf.if %cond3A_31 {
      %broadcast_in_dim3A = arith.constant 0.000000e+00 : f32
      %broadcast_in_dim3A_231 = vector.broadcast %broadcast_in_dim3A : f32 to vector<16xf32>
      %scan3A_232 = arith.constant 0 : i32
      %scan3A_233 = arith.constant 0 : i32
      %scan3A_234 = arith.constant 512 : i32
      %scan3A_235 = arith.addi %scan3A_233, %scan3A_234 : i32
      %scan3A_236 = arith.constant 1 : i32
      %scan3A_237 = scf.for %scan3A_253 = %scan3A_233 to %scan3A_235 step %scan3A_236 iter_args(%scan3A_254 = %scan3A_232) -> (i32)  : i32 {
        %jit3A_255 = arith.constant 8 : i32
        %div3A = arith.divsi %scan3A_253, %jit3A_255 : i32
        %sign3A = arith.constant 0 : i32
        %sign3A_256 = arith.cmpi sgt, %scan3A_253, %sign3A : i32
        %sign3A_257 = arith.extui %sign3A_256 : i1 to i32
        %sign3A_258 = arith.constant 0 : i32
        %sign3A_259 = arith.cmpi slt, %scan3A_253, %sign3A_258 : i32
        %sign3A_260 = arith.extui %sign3A_259 : i1 to i32
        %sign3A_261 = arith.subi %sign3A_257, %sign3A_260 : i32
        %sign3A_262 = arith.constant 0 : i32
        %sign3A_263 = arith.cmpi sgt, %jit3A_255, %sign3A_262 : i32
        %sign3A_264 = arith.extui %sign3A_263 : i1 to i32
        %sign3A_265 = arith.constant 0 : i32
        %sign3A_266 = arith.cmpi slt, %jit3A_255, %sign3A_265 : i32
        %sign3A_267 = arith.extui %sign3A_266 : i1 to i32
        %sign3A_268 = arith.subi %sign3A_264, %sign3A_267 : i32
        %ne3A_269 = arith.cmpi ne, %sign3A_261, %sign3A_268 : i32
        %rem3A = arith.remsi %scan3A_253, %jit3A_255 : i32
        %ne3A_270 = arith.constant 0 : i32
        %ne3A_271 = arith.cmpi ne, %rem3A, %ne3A_270 : i32
        %and3A = arith.andi %ne3A_269, %ne3A_271 : i1
        %sub3A = arith.constant 1 : i32
        %sub3A_272 = arith.subi %div3A, %sub3A : i32
        %select_n3A_273 = arith.select %and3A, %sub3A_272, %div3A : i32
        %jit3A_274 = arith.constant 8 : i32
        %eq3A_275 = arith.constant 0 : i32
        %eq3A_276 = arith.cmpi eq, %jit3A_274, %eq3A_275 : i32
        %jit3A_277 = arith.constant 1 : i32
        %select_n3A_278 = arith.select %eq3A_276, %jit3A_277, %jit3A_274 : i32
        %rem3A_279 = arith.remsi %scan3A_253, %select_n3A_278 : i32
        %ne3A_280 = arith.constant 0 : i32
        %ne3A_281 = arith.cmpi ne, %rem3A_279, %ne3A_280 : i32
        %lt3A_282 = arith.constant 0 : i32
        %lt3A_283 = arith.cmpi slt, %rem3A_279, %lt3A_282 : i32
        %lt3A_284 = arith.constant 0 : i32
        %lt3A_285 = arith.cmpi slt, %select_n3A_278, %lt3A_284 : i32
        %ne3A_286 = arith.xori %lt3A_283, %lt3A_285 : i1
        %and3A_287 = arith.andi %ne3A_286, %ne3A_281 : i1
        %add3A_288 = arith.addi %rem3A_279, %select_n3A_278 : i32
        %select_n3A_289 = arith.select %and3A_287, %add3A_288, %rem3A_279 : i32
        %mul3A_290 = arith.constant 16 : i32
        %mul3A_291 = arith.muli %select_n3A_289, %mul3A_290 : i32
        %swap3A_292 = arith.index_cast %select_n3A_273 : i32 to index
        %swap3A_293 = arith.index_cast %mul3A_291 : i32 to index
        %swap3A_294 = tpu.vector_load %arg12[%swap3A_292, %swap3A_293] {strides = array<i32>} : memref<64x128xf32, #tpu.memory_space<vmem>>, vector<16xf32>,
        tpu.vector_store %arg12[%swap3A_292, %swap3A_293], %broadcast_in_dim3A_231 {strides = array<i32>} : memref<64x128xf32, #tpu.memory_space<vmem>>, vector<16xf32>,
        %scan3A_295 = arith.constant 0 : i32
        scf.yield %scan3A_295 : i32
      }
      %scan3A_238 = arith.constant 512 : i32
      %scan3A_239 = arith.constant 0 : i32
      %scan3A_240 = arith.constant 0 : i32
      %scan3A_241 = arith.constant 9 : i32
      %scan3A_242 = arith.addi %scan3A_240, %scan3A_241 : i32
      %scan3A_243 = arith.constant 1 : i32
      %scan3A_244 = scf.for %scan3A_253 = %scan3A_240 to %scan3A_242 step %scan3A_243 iter_args(%scan3A_254 = %scan3A_239) -> (i32)  : i32 {
        %mul3A_255 = arith.constant 64 : i32
        %mul3A_256 = arith.muli %scan3A_253, %mul3A_255 : i32
        %add3A_257 = arith.addi %mul3A_2, %mul3A_256 : i32
        "tpu.region"() ({
          %run_scoped3A = tpu.sem_alloc : memref<!tpu.dma_semaphore, #tpu.memory_space<semaphore_mem>>
          %dma_start3A_259 = arith.constant 0 : i32
          %dma_start3A_260 = tpu.memref_slice %arg16[%add3A_257, %dma_start3A_259] : memref<10000x128xf32, #tpu.memory_space<vmem_shared>> -> memref<64x128xf32, #tpu.memory_space<vmem_shared>>
          %dma_start3A_261 = arith.constant 0 : i32
          %dma_start3A_262 = tpu.memref_slice %arg16[%add3A_257, %dma_start3A_261] : memref<10000x128xf32, #tpu.memory_space<vmem_shared>> -> memref<64x128xf32, #tpu.memory_space<vmem_shared>>
          tpu.enqueue_dma source(%arg12 : memref<64x128xf32, #tpu.memory_space<vmem>>) target(%dma_start3A_262 : memref<64x128xf32, #tpu.memory_space<vmem_shared>>) target_semaphore(%run_scoped3A : memref<!tpu.dma_semaphore, #tpu.memory_space<semaphore_mem>>)
          %dma_wait3A_263 = arith.constant 0 : i32
          %dma_wait3A_264 = tpu.memref_slice %arg16[%add3A_257, %dma_wait3A_263] : memref<10000x128xf32, #tpu.memory_space<vmem_shared>> -> memref<64x128xf32, #tpu.memory_space<vmem_shared>>
          %dma_wait3A_265 = arith.constant 0 : i32
          %dma_wait3A_266 = tpu.memref_slice %arg16[%add3A_257, %dma_wait3A_265] : memref<10000x128xf32, #tpu.memory_space<vmem_shared>> -> memref<64x128xf32, #tpu.memory_space<vmem_shared>>
          tpu.wait_dma2 semaphore(%run_scoped3A : memref<!tpu.dma_semaphore, #tpu.memory_space<semaphore_mem>>) src(%arg12 : memref<64x128xf32, #tpu.memory_space<vmem>>) dst(%dma_wait3A_266 : memref<64x128xf32, #tpu.memory_space<vmem_shared>>)
          tpu.yield
        }) : () -> ()
        %scan3A_258 = arith.constant 0 : i32
        scf.yield %scan3A_258 : i32
      }
      %scan3A_245 = arith.constant 9 : i32
      %add3A_246 = arith.constant 576 : i32
      %add3A_247 = arith.addi %mul3A_2, %add3A_246 : i32
      "tpu.region"() ({
        %run_scoped3A = tpu.sem_alloc : memref<!tpu.dma_semaphore, #tpu.memory_space<semaphore_mem>>
        %dma_start3A_253 = arith.constant 0 : i32
        %dma_start3A_254 = arith.constant 0 : i32
        %dma_start3A_255 = tpu.memref_slice %arg12[%dma_start3A_253, %dma_start3A_254] : memref<64x128xf32, #tpu.memory_space<vmem>> -> memref<48x128xf32, #tpu.memory_space<vmem>>
        %dma_start3A_256 = arith.constant 0 : i32
        %dma_start3A_257 = tpu.memref_slice %arg16[%add3A_247, %dma_start3A_256] : memref<10000x128xf32, #tpu.memory_space<vmem_shared>> -> memref<48x128xf32, #tpu.memory_space<vmem_shared>>
        %dma_start3A_258 = arith.constant 0 : i32
        %dma_start3A_259 = tpu.memref_slice %arg16[%add3A_247, %dma_start3A_258] : memref<10000x128xf32, #tpu.memory_space<vmem_shared>> -> memref<48x128xf32, #tpu.memory_space<vmem_shared>>
        %dma_start3A_260 = arith.constant 0 : i32
        %dma_start3A_261 = arith.constant 0 : i32
        %dma_start3A_262 = tpu.memref_slice %arg12[%dma_start3A_260, %dma_start3A_261] : memref<64x128xf32, #tpu.memory_space<vmem>> -> memref<48x128xf32, #tpu.memory_space<vmem>>
        tpu.enqueue_dma source(%dma_start3A_262 : memref<48x128xf32, #tpu.memory_space<vmem>>) target(%dma_start3A_259 : memref<48x128xf32, #tpu.memory_space<vmem_shared>>) target_semaphore(%run_scoped3A : memref<!tpu.dma_semaphore, #tpu.memory_space<semaphore_mem>>)
        %dma_wait3A_263 = arith.constant 0 : i32
        %dma_wait3A_264 = arith.constant 0 : i32
        %dma_wait3A_265 = tpu.memref_slice %arg12[%dma_wait3A_263, %dma_wait3A_264] : memref<64x128xf32, #tpu.memory_space<vmem>> -> memref<48x128xf32, #tpu.memory_space<vmem>>
        %dma_wait3A_266 = arith.constant 0 : i32
        %dma_wait3A_267 = tpu.memref_slice %arg16[%add3A_247, %dma_wait3A_266] : memref<10000x128xf32, #tpu.memory_space<vmem_shared>> -> memref<48x128xf32, #tpu.memory_space<vmem_shared>>
        %dma_wait3A_268 = arith.constant 0 : i32
        %dma_wait3A_269 = tpu.memref_slice %arg16[%add3A_247, %dma_wait3A_268] : memref<10000x128xf32, #tpu.memory_space<vmem_shared>> -> memref<48x128xf32, #tpu.memory_space<vmem_shared>>
        %dma_wait3A_270 = arith.constant 0 : i32
        %dma_wait3A_271 = arith.constant 0 : i32
        %dma_wait3A_272 = tpu.memref_slice %arg12[%dma_wait3A_270, %dma_wait3A_271] : memref<64x128xf32, #tpu.memory_space<vmem>> -> memref<48x128xf32, #tpu.memory_space<vmem>>
        tpu.wait_dma2 semaphore(%run_scoped3A : memref<!tpu.dma_semaphore, #tpu.memory_space<semaphore_mem>>) src(%dma_wait3A_272 : memref<48x128xf32, #tpu.memory_space<vmem>>) dst(%dma_wait3A_269 : memref<48x128xf32, #tpu.memory_space<vmem_shared>>)
        tpu.yield
      }) : () -> ()
      %eq3A_248 = arith.constant 0 : i32
      %eq3A_249 = arith.cmpi eq, %arg1, %eq3A_248 : i32
      %convert_element_type3A_250 = arith.extui %eq3A_249 : i1 to i32
      %cond3A_251 = arith.constant 0 : i32
      %cond3A_252 = arith.cmpi ne, %convert_element_type3A_250, %cond3A_251 : i32
      scf.if %cond3A_252 {
        "tpu.region"() ({
          %run_scoped3A = tpu.sem_alloc : memref<!tpu.dma_semaphore, #tpu.memory_space<semaphore_mem>>
          %dma_start3A_253 = arith.constant 0 : i32
          %dma_start3A_254 = arith.constant 0 : i32
          %dma_start3A_255 = tpu.memref_slice %arg12[%dma_start3A_253, %dma_start3A_254] : memref<64x128xf32, #tpu.memory_space<vmem>> -> memref<16x128xf32, #tpu.memory_space<vmem>>
          %dma_start3A_256 = arith.constant 9984 : i32
          %dma_start3A_257 = arith.constant 0 : i32
          %dma_start3A_258 = tpu.memref_slice %arg16[%dma_start3A_256, %dma_start3A_257] : memref<10000x128xf32, #tpu.memory_space<vmem_shared>> -> memref<16x128xf32, #tpu.memory_space<vmem_shared>>
          %dma_start3A_259 = arith.constant 9984 : i32
          %dma_start3A_260 = arith.constant 0 : i32
          %dma_start3A_261 = tpu.memref_slice %arg16[%dma_start3A_259, %dma_start3A_260] : memref<10000x128xf32, #tpu.memory_space<vmem_shared>> -> memref<16x128xf32, #tpu.memory_space<vmem_shared>>
          %dma_start3A_262 = arith.constant 0 : i32
          %dma_start3A_263 = arith.constant 0 : i32
          %dma_start3A_264 = tpu.memref_slice %arg12[%dma_start3A_262, %dma_start3A_263] : memref<64x128xf32, #tpu.memory_space<vmem>> -> memref<16x128xf32, #tpu.memory_space<vmem>>
          tpu.enqueue_dma source(%dma_start3A_264 : memref<16x128xf32, #tpu.memory_space<vmem>>) target(%dma_start3A_261 : memref<16x128xf32, #tpu.memory_space<vmem_shared>>) target_semaphore(%run_scoped3A : memref<!tpu.dma_semaphore, #tpu.memory_space<semaphore_mem>>)
          %dma_wait3A_265 = arith.constant 0 : i32
          %dma_wait3A_266 = arith.constant 0 : i32
          %dma_wait3A_267 = tpu.memref_slice %arg12[%dma_wait3A_265, %dma_wait3A_266] : memref<64x128xf32, #tpu.memory_space<vmem>> -> memref<16x128xf32, #tpu.memory_space<vmem>>
          %dma_wait3A_268 = arith.constant 9984 : i32
          %dma_wait3A_269 = arith.constant 0 : i32
          %dma_wait3A_270 = tpu.memref_slice %arg16[%dma_wait3A_268, %dma_wait3A_269] : memref<10000x128xf32, #tpu.memory_space<vmem_shared>> -> memref<16x128xf32, #tpu.memory_space<vmem_shared>>
          %dma_wait3A_271 = arith.constant 9984 : i32
          %dma_wait3A_272 = arith.constant 0 : i32
          %dma_wait3A_273 = tpu.memref_slice %arg16[%dma_wait3A_271, %dma_wait3A_272] : memref<10000x128xf32, #tpu.memory_space<vmem_shared>> -> memref<16x128xf32, #tpu.memory_space<vmem_shared>>
          %dma_wait3A_274 = arith.constant 0 : i32
          %dma_wait3A_275 = arith.constant 0 : i32
          %dma_wait3A_276 = tpu.memref_slice %arg12[%dma_wait3A_274, %dma_wait3A_275] : memref<64x128xf32, #tpu.memory_space<vmem>> -> memref<16x128xf32, #tpu.memory_space<vmem>>
          tpu.wait_dma2 semaphore(%run_scoped3A : memref<!tpu.dma_semaphore, #tpu.memory_space<semaphore_mem>>) src(%dma_wait3A_276 : memref<16x128xf32, #tpu.memory_space<vmem>>) dst(%dma_wait3A_273 : memref<16x128xf32, #tpu.memory_space<vmem_shared>>)
          tpu.yield
        }) : () -> ()
      } else {
      }
    } else {
    }
    %dma_wait3A = arith.constant 0 : i32
    %dma_wait3A_32 = arith.constant 0 : i32
    %dma_wait3A_33 = tpu.memref_slice %arg5[%dma_wait3A_32] : memref<10112xi32, #tpu.memory_space<vmem>> -> memref<9984xi32, #tpu.memory_space<vmem>>
    %dma_wait3A_34 = tpu.memref_slice %arg3[%dma_wait3A, %add3A_8] : memref<2x320000xi32, #tpu.memory_space<hbm>> -> memref<1x9984xi32, #tpu.memory_space<hbm>>
    %dma_wait3A_35 = tpu.memref_squeeze %dma_wait3A_34 : memref<1x9984xi32, #tpu.memory_space<hbm>> -> memref<9984xi32, #tpu.memory_space<hbm>>
    %dma_wait3A_36 = arith.constant 0 : i32
    %dma_wait3A_37 = tpu.memref_slice %arg5[%dma_wait3A_36] : memref<10112xi32, #tpu.memory_space<vmem>> -> memref<9984xi32, #tpu.memory_space<vmem>>
    %dma_wait3A_38 = tpu.memref_slice %arg3[%dma_wait3A, %add3A_8] : memref<2x320000xi32, #tpu.memory_space<hbm>> -> memref<1x9984xi32, #tpu.memory_space<hbm>>
    %dma_wait3A_39 = tpu.memref_squeeze %dma_wait3A_38 : memref<1x9984xi32, #tpu.memory_space<hbm>> -> memref<9984xi32, #tpu.memory_space<hbm>>
    tpu.wait_dma2 semaphore(%arg17 : memref<!tpu.dma_semaphore, #tpu.memory_space<semaphore_mem>>) src(%dma_wait3A_39 : memref<9984xi32, #tpu.memory_space<hbm>>) dst(%dma_wait3A_37 : memref<9984xi32, #tpu.memory_space<vmem>>)
    %add3A_40 = arith.constant 0 : i32
    %add3A_41 = arith.addi %add3A_8, %add3A_40 : i32
    %dma_start3A_42 = arith.constant 0 : i32
    %dma_start3A_43 = tpu.memref_slice %arg3[%dma_start3A_42, %add3A_41] : memref<2x320000xi32, #tpu.memory_space<hbm>> -> memref<2x128xi32, #tpu.memory_space<hbm>>
    %dma_start3A_44 = arith.constant 0 : i32
    %dma_start3A_45 = tpu.memref_slice %arg3[%dma_start3A_44, %add3A_41] : memref<2x320000xi32, #tpu.memory_space<hbm>> -> memref<2x128xi32, #tpu.memory_space<hbm>>
    tpu.enqueue_dma source(%dma_start3A_45 : memref<2x128xi32, #tpu.memory_space<hbm>>) target(%arg6 : memref<2x128xi32, #tpu.memory_space<vmem>>) target_semaphore(%arg19 : memref<!tpu.dma_semaphore, #tpu.memory_space<semaphore_mem>>)
    %add3A_46 = arith.constant 128 : i32
    %add3A_47 = arith.addi %add3A_8, %add3A_46 : i32
    %dma_start3A_48 = arith.constant 0 : i32
    %dma_start3A_49 = tpu.memref_slice %arg3[%dma_start3A_48, %add3A_47] : memref<2x320000xi32, #tpu.memory_space<hbm>> -> memref<2x128xi32, #tpu.memory_space<hbm>>
    %dma_start3A_50 = arith.constant 0 : i32
    %dma_start3A_51 = tpu.memref_slice %arg3[%dma_start3A_50, %add3A_47] : memref<2x320000xi32, #tpu.memory_space<hbm>> -> memref<2x128xi32, #tpu.memory_space<hbm>>
    tpu.enqueue_dma source(%dma_start3A_51 : memref<2x128xi32, #tpu.memory_space<hbm>>) target(%arg7 : memref<2x128xi32, #tpu.memory_space<vmem>>) target_semaphore(%arg20 : memref<!tpu.dma_semaphore, #tpu.memory_space<semaphore_mem>>)
    %dma_wait3A_52 = arith.constant 0 : i32
    %dma_wait3A_53 = arith.constant 0 : i32
    %dma_wait3A_54 = tpu.memref_slice %arg3[%dma_wait3A_52, %dma_wait3A_53] : memref<2x320000xi32, #tpu.memory_space<hbm>> -> memref<2x128xi32, #tpu.memory_space<hbm>>
    %dma_wait3A_55 = arith.constant 0 : i32
    %dma_wait3A_56 = arith.constant 0 : i32
    %dma_wait3A_57 = tpu.memref_slice %arg3[%dma_wait3A_55, %dma_wait3A_56] : memref<2x320000xi32, #tpu.memory_space<hbm>> -> memref<2x128xi32, #tpu.memory_space<hbm>>
    tpu.wait_dma2 semaphore(%arg19 : memref<!tpu.dma_semaphore, #tpu.memory_space<semaphore_mem>>) src(%dma_wait3A_57 : memref<2x128xi32, #tpu.memory_space<hbm>>) dst(%arg6 : memref<2x128xi32, #tpu.memory_space<vmem>>)
    %get3A = arith.constant 1 : i32
    %get3A_58 = arith.index_cast %get3A : i32 to index
    %get3A_59 = arith.constant 0 : index
    %get3A_60 = tpu.vector_load %arg6[%get3A_58, %get3A_59] {strides = array<i32>} : memref<2x128xi32, #tpu.memory_space<vmem>>, vector<16xi32>,
    %swap3A = arith.constant 0 : index
    %swap3A_61 = tpu.vector_load %arg8[%swap3A] {strides = array<i32>} : memref<64xi32, #tpu.memory_space<vmem>>, vector<16xi32>,
    tpu.vector_store %arg8[%swap3A], %get3A_60 {strides = array<i32>} : memref<64xi32, #tpu.memory_space<vmem>>, vector<16xi32>,
    %get3A_62 = arith.constant 1 : i32
    %get3A_63 = arith.index_cast %get3A_62 : i32 to index
    %get3A_64 = arith.constant 16 : index
    %get3A_65 = tpu.vector_load %arg6[%get3A_63, %get3A_64] {strides = array<i32>} : memref<2x128xi32, #tpu.memory_space<vmem>>, vector<16xi32>,
    %swap3A_66 = arith.constant 16 : index
    %swap3A_67 = tpu.vector_load %arg8[%swap3A_66] {strides = array<i32>} : memref<64xi32, #tpu.memory_space<vmem>>, vector<16xi32>,
    tpu.vector_store %arg8[%swap3A_66], %get3A_65 {strides = array<i32>} : memref<64xi32, #tpu.memory_space<vmem>>, vector<16xi32>,
    %get3A_68 = arith.constant 1 : i32
    %get3A_69 = arith.index_cast %get3A_68 : i32 to index
    %get3A_70 = arith.constant 32 : index
    %get3A_71 = tpu.vector_load %arg6[%get3A_69, %get3A_70] {strides = array<i32>} : memref<2x128xi32, #tpu.memory_space<vmem>>, vector<16xi32>,
    %swap3A_72 = arith.constant 32 : index
    %swap3A_73 = tpu.vector_load %arg8[%swap3A_72] {strides = array<i32>} : memref<64xi32, #tpu.memory_space<vmem>>, vector<16xi32>,
    tpu.vector_store %arg8[%swap3A_72], %get3A_71 {strides = array<i32>} : memref<64xi32, #tpu.memory_space<vmem>>, vector<16xi32>,
    %get3A_74 = arith.constant 1 : i32
    %get3A_75 = arith.index_cast %get3A_74 : i32 to index
    %get3A_76 = arith.constant 48 : index
    %get3A_77 = tpu.vector_load %arg6[%get3A_75, %get3A_76] {strides = array<i32>} : memref<2x128xi32, #tpu.memory_space<vmem>>, vector<16xi32>,
    %swap3A_78 = arith.constant 48 : index
    %swap3A_79 = tpu.vector_load %arg8[%swap3A_78] {strides = array<i32>} : memref<64xi32, #tpu.memory_space<vmem>>, vector<16xi32>,
    tpu.vector_store %arg8[%swap3A_78], %get3A_77 {strides = array<i32>} : memref<64xi32, #tpu.memory_space<vmem>>, vector<16xi32>,
    %get3A_80 = arith.constant 1 : i32
    %get3A_81 = arith.index_cast %get3A_80 : i32 to index
    %get3A_82 = arith.constant 64 : index
    %get3A_83 = tpu.vector_load %arg6[%get3A_81, %get3A_82] {strides = array<i32>} : memref<2x128xi32, #tpu.memory_space<vmem>>, vector<16xi32>,
    %swap3A_84 = arith.constant 0 : index
    %swap3A_85 = tpu.vector_load %arg9[%swap3A_84] {strides = array<i32>} : memref<64xi32, #tpu.memory_space<vmem>>, vector<16xi32>,
    tpu.vector_store %arg9[%swap3A_84], %get3A_83 {strides = array<i32>} : memref<64xi32, #tpu.memory_space<vmem>>, vector<16xi32>,
    %get3A_86 = arith.constant 1 : i32
    %get3A_87 = arith.index_cast %get3A_86 : i32 to index
    %get3A_88 = arith.constant 80 : index
    %get3A_89 = tpu.vector_load %arg6[%get3A_87, %get3A_88] {strides = array<i32>} : memref<2x128xi32, #tpu.memory_space<vmem>>, vector<16xi32>,
    %swap3A_90 = arith.constant 16 : index
    %swap3A_91 = tpu.vector_load %arg9[%swap3A_90] {strides = array<i32>} : memref<64xi32, #tpu.memory_space<vmem>>, vector<16xi32>,
    tpu.vector_store %arg9[%swap3A_90], %get3A_89 {strides = array<i32>} : memref<64xi32, #tpu.memory_space<vmem>>, vector<16xi32>,
    %get3A_92 = arith.constant 1 : i32
    %get3A_93 = arith.index_cast %get3A_92 : i32 to index
    %get3A_94 = arith.constant 96 : index
    %get3A_95 = tpu.vector_load %arg6[%get3A_93, %get3A_94] {strides = array<i32>} : memref<2x128xi32, #tpu.memory_space<vmem>>, vector<16xi32>,
    %swap3A_96 = arith.constant 32 : index
    %swap3A_97 = tpu.vector_load %arg9[%swap3A_96] {strides = array<i32>} : memref<64xi32, #tpu.memory_space<vmem>>, vector<16xi32>,
    tpu.vector_store %arg9[%swap3A_96], %get3A_95 {strides = array<i32>} : memref<64xi32, #tpu.memory_space<vmem>>, vector<16xi32>,
    %get3A_98 = arith.constant 1 : i32
    %get3A_99 = arith.index_cast %get3A_98 : i32 to index
    %get3A_100 = arith.constant 112 : index
    %get3A_101 = tpu.vector_load %arg6[%get3A_99, %get3A_100] {strides = array<i32>} : memref<2x128xi32, #tpu.memory_space<vmem>>, vector<16xi32>,
    %swap3A_102 = arith.constant 48 : index
    %swap3A_103 = tpu.vector_load %arg9[%swap3A_102] {strides = array<i32>} : memref<64xi32, #tpu.memory_space<vmem>>, vector<16xi32>,
    tpu.vector_store %arg9[%swap3A_102], %get3A_101 {strides = array<i32>} : memref<64xi32, #tpu.memory_space<vmem>>, vector<16xi32>,
    %dma_wait3A_104 = arith.constant 0 : i32
    %dma_wait3A_105 = arith.constant 0 : i32
    %dma_wait3A_106 = tpu.memref_slice %arg3[%dma_wait3A_104, %dma_wait3A_105] : memref<2x320000xi32, #tpu.memory_space<hbm>> -> memref<2x128xi32, #tpu.memory_space<hbm>>
    %dma_wait3A_107 = arith.constant 0 : i32
    %dma_wait3A_108 = arith.constant 0 : i32
    %dma_wait3A_109 = tpu.memref_slice %arg3[%dma_wait3A_107, %dma_wait3A_108] : memref<2x320000xi32, #tpu.memory_space<hbm>> -> memref<2x128xi32, #tpu.memory_space<hbm>>
    tpu.wait_dma2 semaphore(%arg20 : memref<!tpu.dma_semaphore, #tpu.memory_space<semaphore_mem>>) src(%dma_wait3A_109 : memref<2x128xi32, #tpu.memory_space<hbm>>) dst(%arg7 : memref<2x128xi32, #tpu.memory_space<vmem>>)
    %get3A_110 = arith.constant 1 : i32
    %get3A_111 = arith.index_cast %get3A_110 : i32 to index
    %get3A_112 = arith.constant 0 : index
    %get3A_113 = tpu.vector_load %arg7[%get3A_111, %get3A_112] {strides = array<i32>} : memref<2x128xi32, #tpu.memory_space<vmem>>, vector<16xi32>,
    %swap3A_114 = arith.constant 0 : index
    %swap3A_115 = tpu.vector_load %arg10[%swap3A_114] {strides = array<i32>} : memref<64xi32, #tpu.memory_space<vmem>>, vector<16xi32>,
    tpu.vector_store %arg10[%swap3A_114], %get3A_113 {strides = array<i32>} : memref<64xi32, #tpu.memory_space<vmem>>, vector<16xi32>,
    %get3A_116 = arith.constant 1 : i32
    %get3A_117 = arith.index_cast %get3A_116 : i32 to index
    %get3A_118 = arith.constant 16 : index
    %get3A_119 = tpu.vector_load %arg7[%get3A_117, %get3A_118] {strides = array<i32>} : memref<2x128xi32, #tpu.memory_space<vmem>>, vector<16xi32>,
    %swap3A_120 = arith.constant 16 : index
    %swap3A_121 = tpu.vector_load %arg10[%swap3A_120] {strides = array<i32>} : memref<64xi32, #tpu.memory_space<vmem>>, vector<16xi32>,
    tpu.vector_store %arg10[%swap3A_120], %get3A_119 {strides = array<i32>} : memref<64xi32, #tpu.memory_space<vmem>>, vector<16xi32>,
    %get3A_122 = arith.constant 1 : i32
    %get3A_123 = arith.index_cast %get3A_122 : i32 to index
    %get3A_124 = arith.constant 32 : index
    %get3A_125 = tpu.vector_load %arg7[%get3A_123, %get3A_124] {strides = array<i32>} : memref<2x128xi32, #tpu.memory_space<vmem>>, vector<16xi32>,
    %swap3A_126 = arith.constant 32 : index
    %swap3A_127 = tpu.vector_load %arg10[%swap3A_126] {strides = array<i32>} : memref<64xi32, #tpu.memory_space<vmem>>, vector<16xi32>,
    tpu.vector_store %arg10[%swap3A_126], %get3A_125 {strides = array<i32>} : memref<64xi32, #tpu.memory_space<vmem>>, vector<16xi32>,
    %get3A_128 = arith.constant 1 : i32
    %get3A_129 = arith.index_cast %get3A_128 : i32 to index
    %get3A_130 = arith.constant 48 : index
    %get3A_131 = tpu.vector_load %arg7[%get3A_129, %get3A_130] {strides = array<i32>} : memref<2x128xi32, #tpu.memory_space<vmem>>, vector<16xi32>,
    %swap3A_132 = arith.constant 48 : index
    %swap3A_133 = tpu.vector_load %arg10[%swap3A_132] {strides = array<i32>} : memref<64xi32, #tpu.memory_space<vmem>>, vector<16xi32>,
    tpu.vector_store %arg10[%swap3A_132], %get3A_131 {strides = array<i32>} : memref<64xi32, #tpu.memory_space<vmem>>, vector<16xi32>,
    %get3A_134 = arith.constant 1 : i32
    %get3A_135 = arith.index_cast %get3A_134 : i32 to index
    %get3A_136 = arith.constant 64 : index
    %get3A_137 = tpu.vector_load %arg7[%get3A_135, %get3A_136] {strides = array<i32>} : memref<2x128xi32, #tpu.memory_space<vmem>>, vector<16xi32>,
    %swap3A_138 = arith.constant 0 : index
    %swap3A_139 = tpu.vector_load %arg11[%swap3A_138] {strides = array<i32>} : memref<64xi32, #tpu.memory_space<vmem>>, vector<16xi32>,
    tpu.vector_store %arg11[%swap3A_138], %get3A_137 {strides = array<i32>} : memref<64xi32, #tpu.memory_space<vmem>>, vector<16xi32>,
    %get3A_140 = arith.constant 1 : i32
    %get3A_141 = arith.index_cast %get3A_140 : i32 to index
    %get3A_142 = arith.constant 80 : index
    %get3A_143 = tpu.vector_load %arg7[%get3A_141, %get3A_142] {strides = array<i32>} : memref<2x128xi32, #tpu.memory_space<vmem>>, vector<16xi32>,
    %swap3A_144 = arith.constant 16 : index
    %swap3A_145 = tpu.vector_load %arg11[%swap3A_144] {strides = array<i32>} : memref<64xi32, #tpu.memory_space<vmem>>, vector<16xi32>,
    tpu.vector_store %arg11[%swap3A_144], %get3A_143 {strides = array<i32>} : memref<64xi32, #tpu.memory_space<vmem>>, vector<16xi32>,
    %get3A_146 = arith.constant 1 : i32
    %get3A_147 = arith.index_cast %get3A_146 : i32 to index
    %get3A_148 = arith.constant 96 : index
    %get3A_149 = tpu.vector_load %arg7[%get3A_147, %get3A_148] {strides = array<i32>} : memref<2x128xi32, #tpu.memory_space<vmem>>, vector<16xi32>,
    %swap3A_150 = arith.constant 32 : index
    %swap3A_151 = tpu.vector_load %arg11[%swap3A_150] {strides = array<i32>} : memref<64xi32, #tpu.memory_space<vmem>>, vector<16xi32>,
    tpu.vector_store %arg11[%swap3A_150], %get3A_149 {strides = array<i32>} : memref<64xi32, #tpu.memory_space<vmem>>, vector<16xi32>,
    %get3A_152 = arith.constant 1 : i32
    %get3A_153 = arith.index_cast %get3A_152 : i32 to index
    %get3A_154 = arith.constant 112 : index
    %get3A_155 = tpu.vector_load %arg7[%get3A_153, %get3A_154] {strides = array<i32>} : memref<2x128xi32, #tpu.memory_space<vmem>>, vector<16xi32>,
    %swap3A_156 = arith.constant 48 : index
    %swap3A_157 = tpu.vector_load %arg11[%swap3A_156] {strides = array<i32>} : memref<64xi32, #tpu.memory_space<vmem>>, vector<16xi32>,
    tpu.vector_store %arg11[%swap3A_156], %get3A_155 {strides = array<i32>} : memref<64xi32, #tpu.memory_space<vmem>>, vector<16xi32>,
    %add3A_158 = arith.constant 256 : i32
    %add3A_159 = arith.addi %add3A_8, %add3A_158 : i32
    %dma_start3A_160 = arith.constant 0 : i32
    %dma_start3A_161 = tpu.memref_slice %arg3[%dma_start3A_160, %add3A_159] : memref<2x320000xi32, #tpu.memory_space<hbm>> -> memref<2x128xi32, #tpu.memory_space<hbm>>
    %dma_start3A_162 = arith.constant 0 : i32
    %dma_start3A_163 = tpu.memref_slice %arg3[%dma_start3A_162, %add3A_159] : memref<2x320000xi32, #tpu.memory_space<hbm>> -> memref<2x128xi32, #tpu.memory_space<hbm>>
    tpu.enqueue_dma source(%dma_start3A_163 : memref<2x128xi32, #tpu.memory_space<hbm>>) target(%arg6 : memref<2x128xi32, #tpu.memory_space<vmem>>) target_semaphore(%arg19 : memref<!tpu.dma_semaphore, #tpu.memory_space<semaphore_mem>>)
    %add3A_164 = arith.constant 384 : i32
    %add3A_165 = arith.addi %add3A_8, %add3A_164 : i32
    %dma_start3A_166 = arith.constant 0 : i32
    %dma_start3A_167 = tpu.memref_slice %arg3[%dma_start3A_166, %add3A_165] : memref<2x320000xi32, #tpu.memory_space<hbm>> -> memref<2x128xi32, #tpu.memory_space<hbm>>
    %dma_start3A_168 = arith.constant 0 : i32
    %dma_start3A_169 = tpu.memref_slice %arg3[%dma_start3A_168, %add3A_165] : memref<2x320000xi32, #tpu.memory_space<hbm>> -> memref<2x128xi32, #tpu.memory_space<hbm>>
    tpu.enqueue_dma source(%dma_start3A_169 : memref<2x128xi32, #tpu.memory_space<hbm>>) target(%arg7 : memref<2x128xi32, #tpu.memory_space<vmem>>) target_semaphore(%arg20 : memref<!tpu.dma_semaphore, #tpu.memory_space<semaphore_mem>>)
    %dma_start3A_170 = arith.constant 0 : i32
    %dma_start3A_171 = tpu.memref_slice %arg5[%dma_start3A_170] : memref<10112xi32, #tpu.memory_space<vmem>> -> memref<64xi32, #tpu.memory_space<vmem>>
    %dma_start3A_172 = arith.constant 0 : i32
    %dma_start3A_173 = arith.constant 0 : i32
    %dma_start3A_174 = tpu.memref_slice %arg2[%dma_start3A_172, %dma_start3A_173] : memref<10000x128xf32, #tpu.memory_space<hbm>> -> memref<10000x128xf32, #tpu.memory_space<hbm>>
    tpu.enqueue_indirect_dma source(%dma_start3A_174 : memref<10000x128xf32, #tpu.memory_space<hbm>>) target(%arg12 : memref<64x128xf32, #tpu.memory_space<vmem>>) offsets(%dma_start3A_171 : memref<64xi32, #tpu.memory_space<vmem>>) semaphore(%arg21 : memref<!tpu.dma_semaphore, #tpu.memory_space<semaphore_mem>>)
    %dma_start3A_175 = arith.constant 64 : i32
    %dma_start3A_176 = tpu.memref_slice %arg5[%dma_start3A_175] : memref<10112xi32, #tpu.memory_space<vmem>> -> memref<64xi32, #tpu.memory_space<vmem>>
    %dma_start3A_177 = arith.constant 0 : i32
    %dma_start3A_178 = arith.constant 0 : i32
    %dma_start3A_179 = tpu.memref_slice %arg2[%dma_start3A_177, %dma_start3A_178] : memref<10000x128xf32, #tpu.memory_space<hbm>> -> memref<10000x128xf32, #tpu.memory_space<hbm>>
    tpu.enqueue_indirect_dma source(%dma_start3A_179 : memref<10000x128xf32, #tpu.memory_space<hbm>>) target(%arg13 : memref<64x128xf32, #tpu.memory_space<vmem>>) offsets(%dma_start3A_176 : memref<64xi32, #tpu.memory_space<vmem>>) semaphore(%arg22 : memref<!tpu.dma_semaphore, #tpu.memory_space<semaphore_mem>>)
    %dma_start3A_180 = arith.constant 128 : i32
    %dma_start3A_181 = tpu.memref_slice %arg5[%dma_start3A_180] : memref<10112xi32, #tpu.memory_space<vmem>> -> memref<64xi32, #tpu.memory_space<vmem>>
    %dma_start3A_182 = arith.constant 0 : i32
    %dma_start3A_183 = arith.constant 0 : i32
    %dma_start3A_184 = tpu.memref_slice %arg2[%dma_start3A_182, %dma_start3A_183] : memref<10000x128xf32, #tpu.memory_space<hbm>> -> memref<10000x128xf32, #tpu.memory_space<hbm>>
    tpu.enqueue_indirect_dma source(%dma_start3A_184 : memref<10000x128xf32, #tpu.memory_space<hbm>>) target(%arg14 : memref<64x128xf32, #tpu.memory_space<vmem>>) offsets(%dma_start3A_181 : memref<64xi32, #tpu.memory_space<vmem>>) semaphore(%arg23 : memref<!tpu.dma_semaphore, #tpu.memory_space<semaphore_mem>>)
    %dma_start3A_185 = arith.constant 192 : i32
    %dma_start3A_186 = tpu.memref_slice %arg5[%dma_start3A_185] : memref<10112xi32, #tpu.memory_space<vmem>> -> memref<64xi32, #tpu.memory_space<vmem>>
    %dma_start3A_187 = arith.constant 0 : i32
    %dma_start3A_188 = arith.constant 0 : i32
    %dma_start3A_189 = tpu.memref_slice %arg2[%dma_start3A_187, %dma_start3A_188] : memref<10000x128xf32, #tpu.memory_space<hbm>> -> memref<10000x128xf32, #tpu.memory_space<hbm>>
    tpu.enqueue_indirect_dma source(%dma_start3A_189 : memref<10000x128xf32, #tpu.memory_space<hbm>>) target(%arg15 : memref<64x128xf32, #tpu.memory_space<vmem>>) offsets(%dma_start3A_186 : memref<64xi32, #tpu.memory_space<vmem>>) semaphore(%arg24 : memref<!tpu.dma_semaphore, #tpu.memory_space<semaphore_mem>>)
    %barrier3A = arith.constant 0 : index
    tpu.barrier barrier_id(%barrier3A)
    %scan3A = arith.constant 0 : i32
    %scan3A_190 = arith.constant 0 : i32
    %scan3A_191 = arith.constant 39 : i32
    %scan3A_192 = arith.addi %scan3A_190, %scan3A_191 : i32
    %scan3A_193 = arith.constant 1 : i32
    %scan3A_194 = scf.for %scan3A_231 = %scan3A_190 to %scan3A_192 step %scan3A_193 iter_args(%scan3A_232 = %scan3A) -> (i32)  : i32 {
      %mul3A_233 = arith.constant 4 : i32
      %mul3A_234 = arith.muli %scan3A_231, %mul3A_233 : i32
      %add3A_235 = arith.constant 0 : i32
      %add3A_236 = arith.addi %mul3A_234, %add3A_235 : i32
      %gt3A = arith.constant 0 : i32
      %gt3A_237 = arith.cmpi sgt, %add3A_236, %gt3A : i32
      %add3A_238 = arith.constant 3 : i32
      %add3A_239 = arith.addi %add3A_236, %add3A_238 : i32
      %lt3A_240 = arith.cmpi slt, %add3A_239, %add3A_12 : i32
      %and3A = arith.andi %gt3A_237, %lt3A_240 : i1
      %convert_element_type3A_241 = arith.extui %and3A : i1 to i32
      %cond3A_242 = arith.constant 0 : i32
      %cond3A_243 = arith.cmpi ne, %convert_element_type3A_241, %cond3A_242 : i32
      scf.if %cond3A_243 {
        %add3A_320 = arith.constant 3 : i32
        %add3A_321 = arith.addi %add3A_236, %add3A_320 : i32
        %dma_wait3A_322 = arith.constant 0 : i32
        %dma_wait3A_323 = arith.constant 0 : i32
        %dma_wait3A_324 = tpu.memref_slice %arg2[%dma_wait3A_322, %dma_wait3A_323] : memref<10000x128xf32, #tpu.memory_space<hbm>> -> memref<64x128xf32, #tpu.memory_space<hbm>>
        %dma_wait3A_325 = arith.constant 0 : i32
        %dma_wait3A_326 = arith.constant 0 : i32
        %dma_wait3A_327 = tpu.memref_slice %arg2[%dma_wait3A_325, %dma_wait3A_326] : memref<10000x128xf32, #tpu.memory_space<hbm>> -> memref<64x128xf32, #tpu.memory_space<hbm>>
        tpu.wait_dma2 semaphore(%arg28 : memref<!tpu.dma_semaphore, #tpu.memory_space<semaphore_mem>>) src(%dma_wait3A_327 : memref<64x128xf32, #tpu.memory_space<hbm>>) dst(%arg15 : memref<64x128xf32, #tpu.memory_space<vmem>>)
        %get3A_328 = arith.constant 1 : i32
        %get3A_329 = arith.index_cast %get3A_328 : i32 to index
        %get3A_330 = arith.constant 64 : index
        %get3A_331 = tpu.vector_load %arg7[%get3A_329, %get3A_330] {strides = array<i32>} : memref<2x128xi32, #tpu.memory_space<vmem>>, vector<16xi32>,
        %swap3A_332 = arith.constant 0 : index
        %swap3A_333 = tpu.vector_load %arg11[%swap3A_332] {strides = array<i32>} : memref<64xi32, #tpu.memory_space<vmem>>, vector<16xi32>,
        tpu.vector_store %arg11[%swap3A_332], %get3A_331 {strides = array<i32>} : memref<64xi32, #tpu.memory_space<vmem>>, vector<16xi32>,
        %get3A_334 = arith.constant 1 : i32
        %get3A_335 = arith.index_cast %get3A_334 : i32 to index
        %get3A_336 = arith.constant 80 : index
        %get3A_337 = tpu.vector_load %arg7[%get3A_335, %get3A_336] {strides = array<i32>} : memref<2x128xi32, #tpu.memory_space<vmem>>, vector<16xi32>,
        %swap3A_338 = arith.constant 16 : index
        %swap3A_339 = tpu.vector_load %arg11[%swap3A_338] {strides = array<i32>} : memref<64xi32, #tpu.memory_space<vmem>>, vector<16xi32>,
        tpu.vector_store %arg11[%swap3A_338], %get3A_337 {strides = array<i32>} : memref<64xi32, #tpu.memory_space<vmem>>, vector<16xi32>,
        %get3A_340 = arith.constant 1 : i32
        %get3A_341 = arith.index_cast %get3A_340 : i32 to index
        %get3A_342 = arith.constant 96 : index
        %get3A_343 = tpu.vector_load %arg7[%get3A_341, %get3A_342] {strides = array<i32>} : memref<2x128xi32, #tpu.memory_space<vmem>>, vector<16xi32>,
        %swap3A_344 = arith.constant 32 : index
        %swap3A_345 = tpu.vector_load %arg11[%swap3A_344] {strides = array<i32>} : memref<64xi32, #tpu.memory_space<vmem>>, vector<16xi32>,
        tpu.vector_store %arg11[%swap3A_344], %get3A_343 {strides = array<i32>} : memref<64xi32, #tpu.memory_space<vmem>>, vector<16xi32>,
        %get3A_346 = arith.constant 1 : i32
        %get3A_347 = arith.index_cast %get3A_346 : i32 to index
        %get3A_348 = arith.constant 112 : index
        %get3A_349 = tpu.vector_load %arg7[%get3A_347, %get3A_348] {strides = array<i32>} : memref<2x128xi32, #tpu.memory_space<vmem>>, vector<16xi32>,
        %swap3A_350 = arith.constant 48 : index
        %swap3A_351 = tpu.vector_load %arg11[%swap3A_350] {strides = array<i32>} : memref<64xi32, #tpu.memory_space<vmem>>, vector<16xi32>,
        tpu.vector_store %arg11[%swap3A_350], %get3A_349 {strides = array<i32>} : memref<64xi32, #tpu.memory_space<vmem>>, vector<16xi32>,
        %add3A_352 = arith.constant 3 : i32
        %add3A_353 = arith.addi %add3A_321, %add3A_352 : i32
        %jit3A_354 = arith.constant 2 : i32
        %div3A = arith.divsi %add3A_353, %jit3A_354 : i32
        %sign3A = arith.constant 0 : i32
        %sign3A_355 = arith.cmpi sgt, %add3A_353, %sign3A : i32
        %sign3A_356 = arith.extui %sign3A_355 : i1 to i32
        %sign3A_357 = arith.constant 0 : i32
        %sign3A_358 = arith.cmpi slt, %add3A_353, %sign3A_357 : i32
        %sign3A_359 = arith.extui %sign3A_358 : i1 to i32
        %sign3A_360 = arith.subi %sign3A_356, %sign3A_359 : i32
        %sign3A_361 = arith.constant 0 : i32
        %sign3A_362 = arith.cmpi sgt, %jit3A_354, %sign3A_361 : i32
        %sign3A_363 = arith.extui %sign3A_362 : i1 to i32
        %sign3A_364 = arith.constant 0 : i32
        %sign3A_365 = arith.cmpi slt, %jit3A_354, %sign3A_364 : i32
        %sign3A_366 = arith.extui %sign3A_365 : i1 to i32
        %sign3A_367 = arith.subi %sign3A_363, %sign3A_366 : i32
        %ne3A_368 = arith.cmpi ne, %sign3A_360, %sign3A_367 : i32
        %rem3A = arith.remsi %add3A_353, %jit3A_354 : i32
        %ne3A_369 = arith.constant 0 : i32
        %ne3A_370 = arith.cmpi ne, %rem3A, %ne3A_369 : i32
        %and3A_371 = arith.andi %ne3A_368, %ne3A_370 : i1
        %sub3A = arith.constant 1 : i32
        %sub3A_372 = arith.subi %div3A, %sub3A : i32
        %select_n3A_373 = arith.select %and3A_371, %sub3A_372, %div3A : i32
        %jit3A_374 = arith.constant 2 : i32
        %div3A_375 = arith.divsi %add3A_12, %jit3A_374 : i32
        %sign3A_376 = arith.constant 0 : i32
        %sign3A_377 = arith.cmpi sgt, %add3A_12, %sign3A_376 : i32
        %sign3A_378 = arith.extui %sign3A_377 : i1 to i32
        %sign3A_379 = arith.constant 0 : i32
        %sign3A_380 = arith.cmpi slt, %add3A_12, %sign3A_379 : i32
        %sign3A_381 = arith.extui %sign3A_380 : i1 to i32
        %sign3A_382 = arith.subi %sign3A_378, %sign3A_381 : i32
        %sign3A_383 = arith.constant 0 : i32
        %sign3A_384 = arith.cmpi sgt, %jit3A_374, %sign3A_383 : i32
        %sign3A_385 = arith.extui %sign3A_384 : i1 to i32
        %sign3A_386 = arith.constant 0 : i32
        %sign3A_387 = arith.cmpi slt, %jit3A_374, %sign3A_386 : i32
        %sign3A_388 = arith.extui %sign3A_387 : i1 to i32
        %sign3A_389 = arith.subi %sign3A_385, %sign3A_388 : i32
        %ne3A_390 = arith.cmpi ne, %sign3A_382, %sign3A_389 : i32
        %rem3A_391 = arith.remsi %add3A_12, %jit3A_374 : i32
        %ne3A_392 = arith.constant 0 : i32
        %ne3A_393 = arith.cmpi ne, %rem3A_391, %ne3A_392 : i32
        %and3A_394 = arith.andi %ne3A_390, %ne3A_393 : i1
        %sub3A_395 = arith.constant 1 : i32
        %sub3A_396 = arith.subi %div3A_375, %sub3A_395 : i32
        %select_n3A_397 = arith.select %and3A_394, %sub3A_396, %div3A_375 : i32
        %lt3A_398 = arith.cmpi slt, %select_n3A_373, %select_n3A_397 : i32
        %convert_element_type3A_399 = arith.extui %lt3A_398 : i1 to i32
        %cond3A_400 = arith.constant 0 : i32
        %cond3A_401 = arith.cmpi ne, %convert_element_type3A_399, %cond3A_400 : i32
        scf.if %cond3A_401 {
          %add3A_408 = arith.constant 3 : i32
          %add3A_409 = arith.addi %add3A_321, %add3A_408 : i32
          %jit3A_410 = arith.constant 2 : i32
          %div3A_411 = arith.divsi %add3A_409, %jit3A_410 : i32
          %sign3A_412 = arith.constant 0 : i32
          %sign3A_413 = arith.cmpi sgt, %add3A_409, %sign3A_412 : i32
          %sign3A_414 = arith.extui %sign3A_413 : i1 to i32
          %sign3A_415 = arith.constant 0 : i32
          %sign3A_416 = arith.cmpi slt, %add3A_409, %sign3A_415 : i32
          %sign3A_417 = arith.extui %sign3A_416 : i1 to i32
          %sign3A_418 = arith.subi %sign3A_414, %sign3A_417 : i32
          %sign3A_419 = arith.constant 0 : i32
          %sign3A_420 = arith.cmpi sgt, %jit3A_410, %sign3A_419 : i32
          %sign3A_421 = arith.extui %sign3A_420 : i1 to i32
          %sign3A_422 = arith.constant 0 : i32
          %sign3A_423 = arith.cmpi slt, %jit3A_410, %sign3A_422 : i32
          %sign3A_424 = arith.extui %sign3A_423 : i1 to i32
          %sign3A_425 = arith.subi %sign3A_421, %sign3A_424 : i32
          %ne3A_426 = arith.cmpi ne, %sign3A_418, %sign3A_425 : i32
          %rem3A_427 = arith.remsi %add3A_409, %jit3A_410 : i32
          %ne3A_428 = arith.constant 0 : i32
          %ne3A_429 = arith.cmpi ne, %rem3A_427, %ne3A_428 : i32
          %and3A_430 = arith.andi %ne3A_426, %ne3A_429 : i1
          %sub3A_431 = arith.constant 1 : i32
          %sub3A_432 = arith.subi %div3A_411, %sub3A_431 : i32
          %select_n3A_433 = arith.select %and3A_430, %sub3A_432, %div3A_411 : i32
          %mul3A_434 = arith.constant 128 : i32
          %mul3A_435 = arith.muli %select_n3A_433, %mul3A_434 : i32
          %add3A_436 = arith.addi %add3A_8, %mul3A_435 : i32
          %dma_start3A_437 = arith.constant 0 : i32
          %dma_start3A_438 = tpu.memref_slice %arg3[%dma_start3A_437, %add3A_436] : memref<2x320000xi32, #tpu.memory_space<hbm>> -> memref<2x128xi32, #tpu.memory_space<hbm>>
          %dma_start3A_439 = arith.constant 0 : i32
          %dma_start3A_440 = tpu.memref_slice %arg3[%dma_start3A_439, %add3A_436] : memref<2x320000xi32, #tpu.memory_space<hbm>> -> memref<2x128xi32, #tpu.memory_space<hbm>>
          tpu.enqueue_dma source(%dma_start3A_440 : memref<2x128xi32, #tpu.memory_space<hbm>>) target(%arg7 : memref<2x128xi32, #tpu.memory_space<vmem>>) target_semaphore(%arg20 : memref<!tpu.dma_semaphore, #tpu.memory_space<semaphore_mem>>)
        } else {
        }
        %mul3A_402 = arith.constant 64 : i32
        %mul3A_403 = arith.muli %add3A_321, %mul3A_402 : i32
        %dma_start3A_404 = tpu.memref_slice %arg5[%mul3A_403] : memref<10112xi32, #tpu.memory_space<vmem>> -> memref<64xi32, #tpu.memory_space<vmem>>
        %dma_start3A_405 = arith.constant 0 : i32
        %dma_start3A_406 = arith.constant 0 : i32
        %dma_start3A_407 = tpu.memref_slice %arg2[%dma_start3A_405, %dma_start3A_406] : memref<10000x128xf32, #tpu.memory_space<hbm>> -> memref<10000x128xf32, #tpu.memory_space<hbm>>
        tpu.enqueue_indirect_dma source(%dma_start3A_407 : memref<10000x128xf32, #tpu.memory_space<hbm>>) target(%arg15 : memref<64x128xf32, #tpu.memory_space<vmem>>) offsets(%dma_start3A_404 : memref<64xi32, #tpu.memory_space<vmem>>) semaphore(%arg24 : memref<!tpu.dma_semaphore, #tpu.memory_space<semaphore_mem>>)
      } else {
      }
      %dma_wait3A_244 = arith.constant 0 : i32
      %dma_wait3A_245 = arith.constant 0 : i32
      %dma_wait3A_246 = tpu.memref_slice %arg2[%dma_wait3A_244, %dma_wait3A_245] : memref<10000x128xf32, #tpu.memory_space<hbm>> -> memref<64x128xf32, #tpu.memory_space<hbm>>
      %dma_wait3A_247 = arith.constant 0 : i32
      %dma_wait3A_248 = arith.constant 0 : i32
      %dma_wait3A_249 = tpu.memref_slice %arg2[%dma_wait3A_247, %dma_wait3A_248] : memref<10000x128xf32, #tpu.memory_space<hbm>> -> memref<64x128xf32, #tpu.memory_space<hbm>>
      tpu.wait_dma2 semaphore(%arg21 : memref<!tpu.dma_semaphore, #tpu.memory_space<semaphore_mem>>) src(%dma_wait3A_249 : memref<64x128xf32, #tpu.memory_space<hbm>>) dst(%arg12 : memref<64x128xf32, #tpu.memory_space<vmem>>)
      %dma_start3A_250 = arith.constant 0 : i32
      %dma_start3A_251 = arith.constant 0 : i32
      %dma_start3A_252 = tpu.memref_slice %arg16[%dma_start3A_250, %dma_start3A_251] : memref<10000x128xf32, #tpu.memory_space<vmem_shared>> -> memref<10000x128xf32, #tpu.memory_space<vmem_shared>>
      tpu.enqueue_indirect_dma source(%arg12 : memref<64x128xf32, #tpu.memory_space<vmem>>) target(%dma_start3A_252 : memref<10000x128xf32, #tpu.memory_space<vmem_shared>>) offsets(%arg8 : memref<64xi32, #tpu.memory_space<vmem>>) semaphore(%arg25 : memref<!tpu.dma_semaphore, #tpu.memory_space<semaphore_mem>>) {add = true}
      %mul3A_253 = arith.constant 4 : i32
      %mul3A_254 = arith.muli %scan3A_231, %mul3A_253 : i32
      %add3A_255 = arith.constant 1 : i32
      %add3A_256 = arith.addi %mul3A_254, %add3A_255 : i32
      %gt3A_257 = arith.constant 0 : i32
      %gt3A_258 = arith.cmpi sgt, %add3A_256, %gt3A_257 : i32
      %add3A_259 = arith.constant 3 : i32
      %add3A_260 = arith.addi %add3A_256, %add3A_259 : i32
      %lt3A_261 = arith.cmpi slt, %add3A_260, %add3A_12 : i32
      %and3A_262 = arith.andi %gt3A_258, %lt3A_261 : i1
      %convert_element_type3A_263 = arith.extui %and3A_262 : i1 to i32
      %cond3A_264 = arith.constant 0 : i32
      %cond3A_265 = arith.cmpi ne, %convert_element_type3A_263, %cond3A_264 : i32
      scf.if %cond3A_265 {
        %add3A_320 = arith.constant 3 : i32
        %add3A_321 = arith.addi %add3A_256, %add3A_320 : i32
        %dma_wait3A_322 = arith.constant 0 : i32
        %dma_wait3A_323 = arith.constant 0 : i32
        %dma_wait3A_324 = tpu.memref_slice %arg2[%dma_wait3A_322, %dma_wait3A_323] : memref<10000x128xf32, #tpu.memory_space<hbm>> -> memref<64x128xf32, #tpu.memory_space<hbm>>
        %dma_wait3A_325 = arith.constant 0 : i32
        %dma_wait3A_326 = arith.constant 0 : i32
        %dma_wait3A_327 = tpu.memref_slice %arg2[%dma_wait3A_325, %dma_wait3A_326] : memref<10000x128xf32, #tpu.memory_space<hbm>> -> memref<64x128xf32, #tpu.memory_space<hbm>>
        tpu.wait_dma2 semaphore(%arg25 : memref<!tpu.dma_semaphore, #tpu.memory_space<semaphore_mem>>) src(%dma_wait3A_327 : memref<64x128xf32, #tpu.memory_space<hbm>>) dst(%arg12 : memref<64x128xf32, #tpu.memory_space<vmem>>)
        %dma_wait3A_328 = arith.constant 0 : i32
        %dma_wait3A_329 = arith.constant 0 : i32
        %dma_wait3A_330 = tpu.memref_slice %arg3[%dma_wait3A_328, %dma_wait3A_329] : memref<2x320000xi32, #tpu.memory_space<hbm>> -> memref<2x128xi32, #tpu.memory_space<hbm>>
        %dma_wait3A_331 = arith.constant 0 : i32
        %dma_wait3A_332 = arith.constant 0 : i32
        %dma_wait3A_333 = tpu.memref_slice %arg3[%dma_wait3A_331, %dma_wait3A_332] : memref<2x320000xi32, #tpu.memory_space<hbm>> -> memref<2x128xi32, #tpu.memory_space<hbm>>
        tpu.wait_dma2 semaphore(%arg19 : memref<!tpu.dma_semaphore, #tpu.memory_space<semaphore_mem>>) src(%dma_wait3A_333 : memref<2x128xi32, #tpu.memory_space<hbm>>) dst(%arg6 : memref<2x128xi32, #tpu.memory_space<vmem>>)
        %get3A_334 = arith.constant 1 : i32
        %get3A_335 = arith.index_cast %get3A_334 : i32 to index
        %get3A_336 = arith.constant 0 : index
        %get3A_337 = tpu.vector_load %arg6[%get3A_335, %get3A_336] {strides = array<i32>} : memref<2x128xi32, #tpu.memory_space<vmem>>, vector<16xi32>,
        %swap3A_338 = arith.constant 0 : index
        %swap3A_339 = tpu.vector_load %arg8[%swap3A_338] {strides = array<i32>} : memref<64xi32, #tpu.memory_space<vmem>>, vector<16xi32>,
        tpu.vector_store %arg8[%swap3A_338], %get3A_337 {strides = array<i32>} : memref<64xi32, #tpu.memory_space<vmem>>, vector<16xi32>,
        %get3A_340 = arith.constant 1 : i32
        %get3A_341 = arith.index_cast %get3A_340 : i32 to index
        %get3A_342 = arith.constant 16 : index
        %get3A_343 = tpu.vector_load %arg6[%get3A_341, %get3A_342] {strides = array<i32>} : memref<2x128xi32, #tpu.memory_space<vmem>>, vector<16xi32>,
        %swap3A_344 = arith.constant 16 : index
        %swap3A_345 = tpu.vector_load %arg8[%swap3A_344] {strides = array<i32>} : memref<64xi32, #tpu.memory_space<vmem>>, vector<16xi32>,
        tpu.vector_store %arg8[%swap3A_344], %get3A_343 {strides = array<i32>} : memref<64xi32, #tpu.memory_space<vmem>>, vector<16xi32>,
        %get3A_346 = arith.constant 1 : i32
        %get3A_347 = arith.index_cast %get3A_346 : i32 to index
        %get3A_348 = arith.constant 32 : index
        %get3A_349 = tpu.vector_load %arg6[%get3A_347, %get3A_348] {strides = array<i32>} : memref<2x128xi32, #tpu.memory_space<vmem>>, vector<16xi32>,
        %swap3A_350 = arith.constant 32 : index
        %swap3A_351 = tpu.vector_load %arg8[%swap3A_350] {strides = array<i32>} : memref<64xi32, #tpu.memory_space<vmem>>, vector<16xi32>,
        tpu.vector_store %arg8[%swap3A_350], %get3A_349 {strides = array<i32>} : memref<64xi32, #tpu.memory_space<vmem>>, vector<16xi32>,
        %get3A_352 = arith.constant 1 : i32
        %get3A_353 = arith.index_cast %get3A_352 : i32 to index
        %get3A_354 = arith.constant 48 : index
        %get3A_355 = tpu.vector_load %arg6[%get3A_353, %get3A_354] {strides = array<i32>} : memref<2x128xi32, #tpu.memory_space<vmem>>, vector<16xi32>,
        %swap3A_356 = arith.constant 48 : index
        %swap3A_357 = tpu.vector_load %arg8[%swap3A_356] {strides = array<i32>} : memref<64xi32, #tpu.memory_space<vmem>>, vector<16xi32>,
        tpu.vector_store %arg8[%swap3A_356], %get3A_355 {strides = array<i32>} : memref<64xi32, #tpu.memory_space<vmem>>, vector<16xi32>,
        %mul3A_358 = arith.constant 64 : i32
        %mul3A_359 = arith.muli %add3A_321, %mul3A_358 : i32
        %dma_start3A_360 = tpu.memref_slice %arg5[%mul3A_359] : memref<10112xi32, #tpu.memory_space<vmem>> -> memref<64xi32, #tpu.memory_space<vmem>>
        %dma_start3A_361 = arith.constant 0 : i32
        %dma_start3A_362 = arith.constant 0 : i32
        %dma_start3A_363 = tpu.memref_slice %arg2[%dma_start3A_361, %dma_start3A_362] : memref<10000x128xf32, #tpu.memory_space<hbm>> -> memref<10000x128xf32, #tpu.memory_space<hbm>>
        tpu.enqueue_indirect_dma source(%dma_start3A_363 : memref<10000x128xf32, #tpu.memory_space<hbm>>) target(%arg12 : memref<64x128xf32, #tpu.memory_space<vmem>>) offsets(%dma_start3A_360 : memref<64xi32, #tpu.memory_space<vmem>>) semaphore(%arg21 : memref<!tpu.dma_semaphore, #tpu.memory_space<semaphore_mem>>)
      } else {
      }
      %dma_wait3A_266 = arith.constant 0 : i32
      %dma_wait3A_267 = arith.constant 0 : i32
      %dma_wait3A_268 = tpu.memref_slice %arg2[%dma_wait3A_266, %dma_wait3A_267] : memref<10000x128xf32, #tpu.memory_space<hbm>> -> memref<64x128xf32, #tpu.memory_space<hbm>>
      %dma_wait3A_269 = arith.constant 0 : i32
      %dma_wait3A_270 = arith.constant 0 : i32
      %dma_wait3A_271 = tpu.memref_slice %arg2[%dma_wait3A_269, %dma_wait3A_270] : memref<10000x128xf32, #tpu.memory_space<hbm>> -> memref<64x128xf32, #tpu.memory_space<hbm>>
      tpu.wait_dma2 semaphore(%arg22 : memref<!tpu.dma_semaphore, #tpu.memory_space<semaphore_mem>>) src(%dma_wait3A_271 : memref<64x128xf32, #tpu.memory_space<hbm>>) dst(%arg13 : memref<64x128xf32, #tpu.memory_space<vmem>>)
      %dma_start3A_272 = arith.constant 0 : i32
      %dma_start3A_273 = arith.constant 0 : i32
      %dma_start3A_274 = tpu.memref_slice %arg16[%dma_start3A_272, %dma_start3A_273] : memref<10000x128xf32, #tpu.memory_space<vmem_shared>> -> memref<10000x128xf32, #tpu.memory_space<vmem_shared>>
      tpu.enqueue_indirect_dma source(%arg13 : memref<64x128xf32, #tpu.memory_space<vmem>>) target(%dma_start3A_274 : memref<10000x128xf32, #tpu.memory_space<vmem_shared>>) offsets(%arg9 : memref<64xi32, #tpu.memory_space<vmem>>) semaphore(%arg26 : memref<!tpu.dma_semaphore, #tpu.memory_space<semaphore_mem>>) {add = true}
      %mul3A_275 = arith.constant 4 : i32
      %mul3A_276 = arith.muli %scan3A_231, %mul3A_275 : i32
      %add3A_277 = arith.constant 2 : i32
      %add3A_278 = arith.addi %mul3A_276, %add3A_277 : i32
      %gt3A_279 = arith.constant 0 : i32
      %gt3A_280 = arith.cmpi sgt, %add3A_278, %gt3A_279 : i32
      %add3A_281 = arith.constant 3 : i32
      %add3A_282 = arith.addi %add3A_278, %add3A_281 : i32
      %lt3A_283 = arith.cmpi slt, %add3A_282, %add3A_12 : i32
      %and3A_284 = arith.andi %gt3A_280, %lt3A_283 : i1
      %convert_element_type3A_285 = arith.extui %and3A_284 : i1 to i32
      %cond3A_286 = arith.constant 0 : i32
      %cond3A_287 = arith.cmpi ne, %convert_element_type3A_285, %cond3A_286 : i32
      scf.if %cond3A_287 {
        %add3A_320 = arith.constant 3 : i32
        %add3A_321 = arith.addi %add3A_278, %add3A_320 : i32
        %dma_wait3A_322 = arith.constant 0 : i32
        %dma_wait3A_323 = arith.constant 0 : i32
        %dma_wait3A_324 = tpu.memref_slice %arg2[%dma_wait3A_322, %dma_wait3A_323] : memref<10000x128xf32, #tpu.memory_space<hbm>> -> memref<64x128xf32, #tpu.memory_space<hbm>>
        %dma_wait3A_325 = arith.constant 0 : i32
        %dma_wait3A_326 = arith.constant 0 : i32
        %dma_wait3A_327 = tpu.memref_slice %arg2[%dma_wait3A_325, %dma_wait3A_326] : memref<10000x128xf32, #tpu.memory_space<hbm>> -> memref<64x128xf32, #tpu.memory_space<hbm>>
        tpu.wait_dma2 semaphore(%arg26 : memref<!tpu.dma_semaphore, #tpu.memory_space<semaphore_mem>>) src(%dma_wait3A_327 : memref<64x128xf32, #tpu.memory_space<hbm>>) dst(%arg13 : memref<64x128xf32, #tpu.memory_space<vmem>>)
        %get3A_328 = arith.constant 1 : i32
        %get3A_329 = arith.index_cast %get3A_328 : i32 to index
        %get3A_330 = arith.constant 64 : index
        %get3A_331 = tpu.vector_load %arg6[%get3A_329, %get3A_330] {strides = array<i32>} : memref<2x128xi32, #tpu.memory_space<vmem>>, vector<16xi32>,
        %swap3A_332 = arith.constant 0 : index
        %swap3A_333 = tpu.vector_load %arg9[%swap3A_332] {strides = array<i32>} : memref<64xi32, #tpu.memory_space<vmem>>, vector<16xi32>,
        tpu.vector_store %arg9[%swap3A_332], %get3A_331 {strides = array<i32>} : memref<64xi32, #tpu.memory_space<vmem>>, vector<16xi32>,
        %get3A_334 = arith.constant 1 : i32
        %get3A_335 = arith.index_cast %get3A_334 : i32 to index
        %get3A_336 = arith.constant 80 : index
        %get3A_337 = tpu.vector_load %arg6[%get3A_335, %get3A_336] {strides = array<i32>} : memref<2x128xi32, #tpu.memory_space<vmem>>, vector<16xi32>,
        %swap3A_338 = arith.constant 16 : index
        %swap3A_339 = tpu.vector_load %arg9[%swap3A_338] {strides = array<i32>} : memref<64xi32, #tpu.memory_space<vmem>>, vector<16xi32>,
        tpu.vector_store %arg9[%swap3A_338], %get3A_337 {strides = array<i32>} : memref<64xi32, #tpu.memory_space<vmem>>, vector<16xi32>,
        %get3A_340 = arith.constant 1 : i32
        %get3A_341 = arith.index_cast %get3A_340 : i32 to index
        %get3A_342 = arith.constant 96 : index
        %get3A_343 = tpu.vector_load %arg6[%get3A_341, %get3A_342] {strides = array<i32>} : memref<2x128xi32, #tpu.memory_space<vmem>>, vector<16xi32>,
        %swap3A_344 = arith.constant 32 : index
        %swap3A_345 = tpu.vector_load %arg9[%swap3A_344] {strides = array<i32>} : memref<64xi32, #tpu.memory_space<vmem>>, vector<16xi32>,
        tpu.vector_store %arg9[%swap3A_344], %get3A_343 {strides = array<i32>} : memref<64xi32, #tpu.memory_space<vmem>>, vector<16xi32>,
        %get3A_346 = arith.constant 1 : i32
        %get3A_347 = arith.index_cast %get3A_346 : i32 to index
        %get3A_348 = arith.constant 112 : index
        %get3A_349 = tpu.vector_load %arg6[%get3A_347, %get3A_348] {strides = array<i32>} : memref<2x128xi32, #tpu.memory_space<vmem>>, vector<16xi32>,
        %swap3A_350 = arith.constant 48 : index
        %swap3A_351 = tpu.vector_load %arg9[%swap3A_350] {strides = array<i32>} : memref<64xi32, #tpu.memory_space<vmem>>, vector<16xi32>,
        tpu.vector_store %arg9[%swap3A_350], %get3A_349 {strides = array<i32>} : memref<64xi32, #tpu.memory_space<vmem>>, vector<16xi32>,
        %add3A_352 = arith.constant 3 : i32
        %add3A_353 = arith.addi %add3A_321, %add3A_352 : i32
        %jit3A_354 = arith.constant 2 : i32
        %div3A = arith.divsi %add3A_353, %jit3A_354 : i32
        %sign3A = arith.constant 0 : i32
        %sign3A_355 = arith.cmpi sgt, %add3A_353, %sign3A : i32
        %sign3A_356 = arith.extui %sign3A_355 : i1 to i32
        %sign3A_357 = arith.constant 0 : i32
        %sign3A_358 = arith.cmpi slt, %add3A_353, %sign3A_357 : i32
        %sign3A_359 = arith.extui %sign3A_358 : i1 to i32
        %sign3A_360 = arith.subi %sign3A_356, %sign3A_359 : i32
        %sign3A_361 = arith.constant 0 : i32
        %sign3A_362 = arith.cmpi sgt, %jit3A_354, %sign3A_361 : i32
        %sign3A_363 = arith.extui %sign3A_362 : i1 to i32
        %sign3A_364 = arith.constant 0 : i32
        %sign3A_365 = arith.cmpi slt, %jit3A_354, %sign3A_364 : i32
        %sign3A_366 = arith.extui %sign3A_365 : i1 to i32
        %sign3A_367 = arith.subi %sign3A_363, %sign3A_366 : i32
        %ne3A_368 = arith.cmpi ne, %sign3A_360, %sign3A_367 : i32
        %rem3A = arith.remsi %add3A_353, %jit3A_354 : i32
        %ne3A_369 = arith.constant 0 : i32
        %ne3A_370 = arith.cmpi ne, %rem3A, %ne3A_369 : i32
        %and3A_371 = arith.andi %ne3A_368, %ne3A_370 : i1
        %sub3A = arith.constant 1 : i32
        %sub3A_372 = arith.subi %div3A, %sub3A : i32
        %select_n3A_373 = arith.select %and3A_371, %sub3A_372, %div3A : i32
        %jit3A_374 = arith.constant 2 : i32
        %div3A_375 = arith.divsi %add3A_12, %jit3A_374 : i32
        %sign3A_376 = arith.constant 0 : i32
        %sign3A_377 = arith.cmpi sgt, %add3A_12, %sign3A_376 : i32
        %sign3A_378 = arith.extui %sign3A_377 : i1 to i32
        %sign3A_379 = arith.constant 0 : i32
        %sign3A_380 = arith.cmpi slt, %add3A_12, %sign3A_379 : i32
        %sign3A_381 = arith.extui %sign3A_380 : i1 to i32
        %sign3A_382 = arith.subi %sign3A_378, %sign3A_381 : i32
        %sign3A_383 = arith.constant 0 : i32
        %sign3A_384 = arith.cmpi sgt, %jit3A_374, %sign3A_383 : i32
        %sign3A_385 = arith.extui %sign3A_384 : i1 to i32
        %sign3A_386 = arith.constant 0 : i32
        %sign3A_387 = arith.cmpi slt, %jit3A_374, %sign3A_386 : i32
        %sign3A_388 = arith.extui %sign3A_387 : i1 to i32
        %sign3A_389 = arith.subi %sign3A_385, %sign3A_388 : i32
        %ne3A_390 = arith.cmpi ne, %sign3A_382, %sign3A_389 : i32
        %rem3A_391 = arith.remsi %add3A_12, %jit3A_374 : i32
        %ne3A_392 = arith.constant 0 : i32
        %ne3A_393 = arith.cmpi ne, %rem3A_391, %ne3A_392 : i32
        %and3A_394 = arith.andi %ne3A_390, %ne3A_393 : i1
        %sub3A_395 = arith.constant 1 : i32
        %sub3A_396 = arith.subi %div3A_375, %sub3A_395 : i32
        %select_n3A_397 = arith.select %and3A_394, %sub3A_396, %div3A_375 : i32
        %lt3A_398 = arith.cmpi slt, %select_n3A_373, %select_n3A_397 : i32
        %convert_element_type3A_399 = arith.extui %lt3A_398 : i1 to i32
        %cond3A_400 = arith.constant 0 : i32
        %cond3A_401 = arith.cmpi ne, %convert_element_type3A_399, %cond3A_400 : i32
        scf.if %cond3A_401 {
          %add3A_408 = arith.constant 3 : i32
          %add3A_409 = arith.addi %add3A_321, %add3A_408 : i32
          %jit3A_410 = arith.constant 2 : i32
          %div3A_411 = arith.divsi %add3A_409, %jit3A_410 : i32
          %sign3A_412 = arith.constant 0 : i32
          %sign3A_413 = arith.cmpi sgt, %add3A_409, %sign3A_412 : i32
          %sign3A_414 = arith.extui %sign3A_413 : i1 to i32
          %sign3A_415 = arith.constant 0 : i32
          %sign3A_416 = arith.cmpi slt, %add3A_409, %sign3A_415 : i32
          %sign3A_417 = arith.extui %sign3A_416 : i1 to i32
          %sign3A_418 = arith.subi %sign3A_414, %sign3A_417 : i32
          %sign3A_419 = arith.constant 0 : i32
          %sign3A_420 = arith.cmpi sgt, %jit3A_410, %sign3A_419 : i32
          %sign3A_421 = arith.extui %sign3A_420 : i1 to i32
          %sign3A_422 = arith.constant 0 : i32
          %sign3A_423 = arith.cmpi slt, %jit3A_410, %sign3A_422 : i32
          %sign3A_424 = arith.extui %sign3A_423 : i1 to i32
          %sign3A_425 = arith.subi %sign3A_421, %sign3A_424 : i32
          %ne3A_426 = arith.cmpi ne, %sign3A_418, %sign3A_425 : i32
          %rem3A_427 = arith.remsi %add3A_409, %jit3A_410 : i32
          %ne3A_428 = arith.constant 0 : i32
          %ne3A_429 = arith.cmpi ne, %rem3A_427, %ne3A_428 : i32
          %and3A_430 = arith.andi %ne3A_426, %ne3A_429 : i1
          %sub3A_431 = arith.constant 1 : i32
          %sub3A_432 = arith.subi %div3A_411, %sub3A_431 : i32
          %select_n3A_433 = arith.select %and3A_430, %sub3A_432, %div3A_411 : i32
          %mul3A_434 = arith.constant 128 : i32
          %mul3A_435 = arith.muli %select_n3A_433, %mul3A_434 : i32
          %add3A_436 = arith.addi %add3A_8, %mul3A_435 : i32
          %dma_start3A_437 = arith.constant 0 : i32
          %dma_start3A_438 = tpu.memref_slice %arg3[%dma_start3A_437, %add3A_436] : memref<2x320000xi32, #tpu.memory_space<hbm>> -> memref<2x128xi32, #tpu.memory_space<hbm>>
          %dma_start3A_439 = arith.constant 0 : i32
          %dma_start3A_440 = tpu.memref_slice %arg3[%dma_start3A_439, %add3A_436] : memref<2x320000xi32, #tpu.memory_space<hbm>> -> memref<2x128xi32, #tpu.memory_space<hbm>>
          tpu.enqueue_dma source(%dma_start3A_440 : memref<2x128xi32, #tpu.memory_space<hbm>>) target(%arg6 : memref<2x128xi32, #tpu.memory_space<vmem>>) target_semaphore(%arg19 : memref<!tpu.dma_semaphore, #tpu.memory_space<semaphore_mem>>)
        } else {
        }
        %mul3A_402 = arith.constant 64 : i32
        %mul3A_403 = arith.muli %add3A_321, %mul3A_402 : i32
        %dma_start3A_404 = tpu.memref_slice %arg5[%mul3A_403] : memref<10112xi32, #tpu.memory_space<vmem>> -> memref<64xi32, #tpu.memory_space<vmem>>
        %dma_start3A_405 = arith.constant 0 : i32
        %dma_start3A_406 = arith.constant 0 : i32
        %dma_start3A_407 = tpu.memref_slice %arg2[%dma_start3A_405, %dma_start3A_406] : memref<10000x128xf32, #tpu.memory_space<hbm>> -> memref<10000x128xf32, #tpu.memory_space<hbm>>
        tpu.enqueue_indirect_dma source(%dma_start3A_407 : memref<10000x128xf32, #tpu.memory_space<hbm>>) target(%arg13 : memref<64x128xf32, #tpu.memory_space<vmem>>) offsets(%dma_start3A_404 : memref<64xi32, #tpu.memory_space<vmem>>) semaphore(%arg22 : memref<!tpu.dma_semaphore, #tpu.memory_space<semaphore_mem>>)
      } else {
      }
      %dma_wait3A_288 = arith.constant 0 : i32
      %dma_wait3A_289 = arith.constant 0 : i32
      %dma_wait3A_290 = tpu.memref_slice %arg2[%dma_wait3A_288, %dma_wait3A_289] : memref<10000x128xf32, #tpu.memory_space<hbm>> -> memref<64x128xf32, #tpu.memory_space<hbm>>
      %dma_wait3A_291 = arith.constant 0 : i32
      %dma_wait3A_292 = arith.constant 0 : i32
      %dma_wait3A_293 = tpu.memref_slice %arg2[%dma_wait3A_291, %dma_wait3A_292] : memref<10000x128xf32, #tpu.memory_space<hbm>> -> memref<64x128xf32, #tpu.memory_space<hbm>>
      tpu.wait_dma2 semaphore(%arg23 : memref<!tpu.dma_semaphore, #tpu.memory_space<semaphore_mem>>) src(%dma_wait3A_293 : memref<64x128xf32, #tpu.memory_space<hbm>>) dst(%arg14 : memref<64x128xf32, #tpu.memory_space<vmem>>)
      %dma_start3A_294 = arith.constant 0 : i32
      %dma_start3A_295 = arith.constant 0 : i32
      %dma_start3A_296 = tpu.memref_slice %arg16[%dma_start3A_294, %dma_start3A_295] : memref<10000x128xf32, #tpu.memory_space<vmem_shared>> -> memref<10000x128xf32, #tpu.memory_space<vmem_shared>>
      tpu.enqueue_indirect_dma source(%arg14 : memref<64x128xf32, #tpu.memory_space<vmem>>) target(%dma_start3A_296 : memref<10000x128xf32, #tpu.memory_space<vmem_shared>>) offsets(%arg10 : memref<64xi32, #tpu.memory_space<vmem>>) semaphore(%arg27 : memref<!tpu.dma_semaphore, #tpu.memory_space<semaphore_mem>>) {add = true}
      %mul3A_297 = arith.constant 4 : i32
      %mul3A_298 = arith.muli %scan3A_231, %mul3A_297 : i32
      %add3A_299 = arith.constant 3 : i32
      %add3A_300 = arith.addi %mul3A_298, %add3A_299 : i32
      %gt3A_301 = arith.constant 0 : i32
      %gt3A_302 = arith.cmpi sgt, %add3A_300, %gt3A_301 : i32
      %add3A_303 = arith.constant 3 : i32
      %add3A_304 = arith.addi %add3A_300, %add3A_303 : i32
      %lt3A_305 = arith.cmpi slt, %add3A_304, %add3A_12 : i32
      %and3A_306 = arith.andi %gt3A_302, %lt3A_305 : i1
      %convert_element_type3A_307 = arith.extui %and3A_306 : i1 to i32
      %cond3A_308 = arith.constant 0 : i32
      %cond3A_309 = arith.cmpi ne, %convert_element_type3A_307, %cond3A_308 : i32
      scf.if %cond3A_309 {
        %add3A_320 = arith.constant 3 : i32
        %add3A_321 = arith.addi %add3A_300, %add3A_320 : i32
        %dma_wait3A_322 = arith.constant 0 : i32
        %dma_wait3A_323 = arith.constant 0 : i32
        %dma_wait3A_324 = tpu.memref_slice %arg2[%dma_wait3A_322, %dma_wait3A_323] : memref<10000x128xf32, #tpu.memory_space<hbm>> -> memref<64x128xf32, #tpu.memory_space<hbm>>
        %dma_wait3A_325 = arith.constant 0 : i32
        %dma_wait3A_326 = arith.constant 0 : i32
        %dma_wait3A_327 = tpu.memref_slice %arg2[%dma_wait3A_325, %dma_wait3A_326] : memref<10000x128xf32, #tpu.memory_space<hbm>> -> memref<64x128xf32, #tpu.memory_space<hbm>>
        tpu.wait_dma2 semaphore(%arg27 : memref<!tpu.dma_semaphore, #tpu.memory_space<semaphore_mem>>) src(%dma_wait3A_327 : memref<64x128xf32, #tpu.memory_space<hbm>>) dst(%arg14 : memref<64x128xf32, #tpu.memory_space<vmem>>)
        %dma_wait3A_328 = arith.constant 0 : i32
        %dma_wait3A_329 = arith.constant 0 : i32
        %dma_wait3A_330 = tpu.memref_slice %arg3[%dma_wait3A_328, %dma_wait3A_329] : memref<2x320000xi32, #tpu.memory_space<hbm>> -> memref<2x128xi32, #tpu.memory_space<hbm>>
        %dma_wait3A_331 = arith.constant 0 : i32
        %dma_wait3A_332 = arith.constant 0 : i32
        %dma_wait3A_333 = tpu.memref_slice %arg3[%dma_wait3A_331, %dma_wait3A_332] : memref<2x320000xi32, #tpu.memory_space<hbm>> -> memref<2x128xi32, #tpu.memory_space<hbm>>
        tpu.wait_dma2 semaphore(%arg20 : memref<!tpu.dma_semaphore, #tpu.memory_space<semaphore_mem>>) src(%dma_wait3A_333 : memref<2x128xi32, #tpu.memory_space<hbm>>) dst(%arg7 : memref<2x128xi32, #tpu.memory_space<vmem>>)
        %get3A_334 = arith.constant 1 : i32
        %get3A_335 = arith.index_cast %get3A_334 : i32 to index
        %get3A_336 = arith.constant 0 : index
        %get3A_337 = tpu.vector_load %arg7[%get3A_335, %get3A_336] {strides = array<i32>} : memref<2x128xi32, #tpu.memory_space<vmem>>, vector<16xi32>,
        %swap3A_338 = arith.constant 0 : index
        %swap3A_339 = tpu.vector_load %arg10[%swap3A_338] {strides = array<i32>} : memref<64xi32, #tpu.memory_space<vmem>>, vector<16xi32>,
        tpu.vector_store %arg10[%swap3A_338], %get3A_337 {strides = array<i32>} : memref<64xi32, #tpu.memory_space<vmem>>, vector<16xi32>,
        %get3A_340 = arith.constant 1 : i32
        %get3A_341 = arith.index_cast %get3A_340 : i32 to index
        %get3A_342 = arith.constant 16 : index
        %get3A_343 = tpu.vector_load %arg7[%get3A_341, %get3A_342] {strides = array<i32>} : memref<2x128xi32, #tpu.memory_space<vmem>>, vector<16xi32>,
        %swap3A_344 = arith.constant 16 : index
        %swap3A_345 = tpu.vector_load %arg10[%swap3A_344] {strides = array<i32>} : memref<64xi32, #tpu.memory_space<vmem>>, vector<16xi32>,
        tpu.vector_store %arg10[%swap3A_344], %get3A_343 {strides = array<i32>} : memref<64xi32, #tpu.memory_space<vmem>>, vector<16xi32>,
        %get3A_346 = arith.constant 1 : i32
        %get3A_347 = arith.index_cast %get3A_346 : i32 to index
        %get3A_348 = arith.constant 32 : index
        %get3A_349 = tpu.vector_load %arg7[%get3A_347, %get3A_348] {strides = array<i32>} : memref<2x128xi32, #tpu.memory_space<vmem>>, vector<16xi32>,
        %swap3A_350 = arith.constant 32 : index
        %swap3A_351 = tpu.vector_load %arg10[%swap3A_350] {strides = array<i32>} : memref<64xi32, #tpu.memory_space<vmem>>, vector<16xi32>,
        tpu.vector_store %arg10[%swap3A_350], %get3A_349 {strides = array<i32>} : memref<64xi32, #tpu.memory_space<vmem>>, vector<16xi32>,
        %get3A_352 = arith.constant 1 : i32
        %get3A_353 = arith.index_cast %get3A_352 : i32 to index
        %get3A_354 = arith.constant 48 : index
        %get3A_355 = tpu.vector_load %arg7[%get3A_353, %get3A_354] {strides = array<i32>} : memref<2x128xi32, #tpu.memory_space<vmem>>, vector<16xi32>,
        %swap3A_356 = arith.constant 48 : index
        %swap3A_357 = tpu.vector_load %arg10[%swap3A_356] {strides = array<i32>} : memref<64xi32, #tpu.memory_space<vmem>>, vector<16xi32>,
        tpu.vector_store %arg10[%swap3A_356], %get3A_355 {strides = array<i32>} : memref<64xi32, #tpu.memory_space<vmem>>, vector<16xi32>,
        %mul3A_358 = arith.constant 64 : i32
        %mul3A_359 = arith.muli %add3A_321, %mul3A_358 : i32
        %dma_start3A_360 = tpu.memref_slice %arg5[%mul3A_359] : memref<10112xi32, #tpu.memory_space<vmem>> -> memref<64xi32, #tpu.memory_space<vmem>>
        %dma_start3A_361 = arith.constant 0 : i32
        %dma_start3A_362 = arith.constant 0 : i32
        %dma_start3A_363 = tpu.memref_slice %arg2[%dma_start3A_361, %dma_start3A_362] : memref<10000x128xf32, #tpu.memory_space<hbm>> -> memref<10000x128xf32, #tpu.memory_space<hbm>>
        tpu.enqueue_indirect_dma source(%dma_start3A_363 : memref<10000x128xf32, #tpu.memory_space<hbm>>) target(%arg14 : memref<64x128xf32, #tpu.memory_space<vmem>>) offsets(%dma_start3A_360 : memref<64xi32, #tpu.memory_space<vmem>>) semaphore(%arg23 : memref<!tpu.dma_semaphore, #tpu.memory_space<semaphore_mem>>)
      } else {
      }
      %dma_wait3A_310 = arith.constant 0 : i32
      %dma_wait3A_311 = arith.constant 0 : i32
      %dma_wait3A_312 = tpu.memref_slice %arg2[%dma_wait3A_310, %dma_wait3A_311] : memref<10000x128xf32, #tpu.memory_space<hbm>> -> memref<64x128xf32, #tpu.memory_space<hbm>>
      %dma_wait3A_313 = arith.constant 0 : i32
      %dma_wait3A_314 = arith.constant 0 : i32
      %dma_wait3A_315 = tpu.memref_slice %arg2[%dma_wait3A_313, %dma_wait3A_314] : memref<10000x128xf32, #tpu.memory_space<hbm>> -> memref<64x128xf32, #tpu.memory_space<hbm>>
      tpu.wait_dma2 semaphore(%arg24 : memref<!tpu.dma_semaphore, #tpu.memory_space<semaphore_mem>>) src(%dma_wait3A_315 : memref<64x128xf32, #tpu.memory_space<hbm>>) dst(%arg15 : memref<64x128xf32, #tpu.memory_space<vmem>>)
      %dma_start3A_316 = arith.constant 0 : i32
      %dma_start3A_317 = arith.constant 0 : i32
      %dma_start3A_318 = tpu.memref_slice %arg16[%dma_start3A_316, %dma_start3A_317] : memref<10000x128xf32, #tpu.memory_space<vmem_shared>> -> memref<10000x128xf32, #tpu.memory_space<vmem_shared>>
      tpu.enqueue_indirect_dma source(%arg15 : memref<64x128xf32, #tpu.memory_space<vmem>>) target(%dma_start3A_318 : memref<10000x128xf32, #tpu.memory_space<vmem_shared>>) offsets(%arg11 : memref<64xi32, #tpu.memory_space<vmem>>) semaphore(%arg28 : memref<!tpu.dma_semaphore, #tpu.memory_space<semaphore_mem>>) {add = true}
      %scan3A_319 = arith.constant 0 : i32
      scf.yield %scan3A_319 : i32
    }
    %scan3A_195 = arith.constant 39 : i32
    %lt3A_196 = arith.constant 4 : i32
    %lt3A_197 = arith.cmpi slt, %add3A, %lt3A_196 : i32
    %convert_element_type3A_198 = arith.extui %lt3A_197 : i1 to i32
    %cond3A_199 = arith.constant 0 : i32
    %cond3A_200 = arith.cmpi ne, %convert_element_type3A_198, %cond3A_199 : i32
    scf.if %cond3A_200 {
      %dma_wait3A_231 = arith.constant 0 : i32
      %dma_wait3A_232 = arith.constant 0 : i32
      %dma_wait3A_233 = tpu.memref_slice %arg2[%dma_wait3A_231, %dma_wait3A_232] : memref<10000x128xf32, #tpu.memory_space<hbm>> -> memref<64x128xf32, #tpu.memory_space<hbm>>
      %dma_wait3A_234 = arith.constant 0 : i32
      %dma_wait3A_235 = arith.constant 0 : i32
      %dma_wait3A_236 = tpu.memref_slice %arg2[%dma_wait3A_234, %dma_wait3A_235] : memref<10000x128xf32, #tpu.memory_space<hbm>> -> memref<64x128xf32, #tpu.memory_space<hbm>>
      tpu.wait_dma2 semaphore(%arg21 : memref<!tpu.dma_semaphore, #tpu.memory_space<semaphore_mem>>) src(%dma_wait3A_236 : memref<64x128xf32, #tpu.memory_space<hbm>>) dst(%arg12 : memref<64x128xf32, #tpu.memory_space<vmem>>)
      %dma_start3A_237 = arith.constant 0 : i32
      %dma_start3A_238 = arith.constant 0 : i32
      %dma_start3A_239 = tpu.memref_slice %arg16[%dma_start3A_237, %dma_start3A_238] : memref<10000x128xf32, #tpu.memory_space<vmem_shared>> -> memref<10000x128xf32, #tpu.memory_space<vmem_shared>>
      tpu.enqueue_indirect_dma source(%arg12 : memref<64x128xf32, #tpu.memory_space<vmem>>) target(%dma_start3A_239 : memref<10000x128xf32, #tpu.memory_space<vmem_shared>>) offsets(%arg8 : memref<64xi32, #tpu.memory_space<vmem>>) semaphore(%arg25 : memref<!tpu.dma_semaphore, #tpu.memory_space<semaphore_mem>>) {add = true}
      %dma_wait3A_240 = arith.constant 0 : i32
      %dma_wait3A_241 = arith.constant 0 : i32
      %dma_wait3A_242 = tpu.memref_slice %arg2[%dma_wait3A_240, %dma_wait3A_241] : memref<10000x128xf32, #tpu.memory_space<hbm>> -> memref<64x128xf32, #tpu.memory_space<hbm>>
      %dma_wait3A_243 = arith.constant 0 : i32
      %dma_wait3A_244 = arith.constant 0 : i32
      %dma_wait3A_245 = tpu.memref_slice %arg2[%dma_wait3A_243, %dma_wait3A_244] : memref<10000x128xf32, #tpu.memory_space<hbm>> -> memref<64x128xf32, #tpu.memory_space<hbm>>
      tpu.wait_dma2 semaphore(%arg22 : memref<!tpu.dma_semaphore, #tpu.memory_space<semaphore_mem>>) src(%dma_wait3A_245 : memref<64x128xf32, #tpu.memory_space<hbm>>) dst(%arg13 : memref<64x128xf32, #tpu.memory_space<vmem>>)
      %dma_start3A_246 = arith.constant 0 : i32
      %dma_start3A_247 = arith.constant 0 : i32
      %dma_start3A_248 = tpu.memref_slice %arg16[%dma_start3A_246, %dma_start3A_247] : memref<10000x128xf32, #tpu.memory_space<vmem_shared>> -> memref<10000x128xf32, #tpu.memory_space<vmem_shared>>
      tpu.enqueue_indirect_dma source(%arg13 : memref<64x128xf32, #tpu.memory_space<vmem>>) target(%dma_start3A_248 : memref<10000x128xf32, #tpu.memory_space<vmem_shared>>) offsets(%arg9 : memref<64xi32, #tpu.memory_space<vmem>>) semaphore(%arg26 : memref<!tpu.dma_semaphore, #tpu.memory_space<semaphore_mem>>) {add = true}
    } else {
    }
    %dma_wait3A_201 = arith.constant 0 : i32
    %dma_wait3A_202 = arith.constant 0 : i32
    %dma_wait3A_203 = tpu.memref_slice %arg2[%dma_wait3A_201, %dma_wait3A_202] : memref<10000x128xf32, #tpu.memory_space<hbm>> -> memref<64x128xf32, #tpu.memory_space<hbm>>
    %dma_wait3A_204 = arith.constant 0 : i32
    %dma_wait3A_205 = arith.constant 0 : i32
    %dma_wait3A_206 = tpu.memref_slice %arg2[%dma_wait3A_204, %dma_wait3A_205] : memref<10000x128xf32, #tpu.memory_space<hbm>> -> memref<64x128xf32, #tpu.memory_space<hbm>>
    tpu.wait_dma2 semaphore(%arg25 : memref<!tpu.dma_semaphore, #tpu.memory_space<semaphore_mem>>) src(%dma_wait3A_206 : memref<64x128xf32, #tpu.memory_space<hbm>>) dst(%arg12 : memref<64x128xf32, #tpu.memory_space<vmem>>)
    %dma_wait3A_207 = arith.constant 0 : i32
    %dma_wait3A_208 = arith.constant 0 : i32
    %dma_wait3A_209 = tpu.memref_slice %arg2[%dma_wait3A_207, %dma_wait3A_208] : memref<10000x128xf32, #tpu.memory_space<hbm>> -> memref<64x128xf32, #tpu.memory_space<hbm>>
    %dma_wait3A_210 = arith.constant 0 : i32
    %dma_wait3A_211 = arith.constant 0 : i32
    %dma_wait3A_212 = tpu.memref_slice %arg2[%dma_wait3A_210, %dma_wait3A_211] : memref<10000x128xf32, #tpu.memory_space<hbm>> -> memref<64x128xf32, #tpu.memory_space<hbm>>
    tpu.wait_dma2 semaphore(%arg26 : memref<!tpu.dma_semaphore, #tpu.memory_space<semaphore_mem>>) src(%dma_wait3A_212 : memref<64x128xf32, #tpu.memory_space<hbm>>) dst(%arg13 : memref<64x128xf32, #tpu.memory_space<vmem>>)
    %dma_wait3A_213 = arith.constant 0 : i32
    %dma_wait3A_214 = arith.constant 0 : i32
    %dma_wait3A_215 = tpu.memref_slice %arg2[%dma_wait3A_213, %dma_wait3A_214] : memref<10000x128xf32, #tpu.memory_space<hbm>> -> memref<64x128xf32, #tpu.memory_space<hbm>>
    %dma_wait3A_216 = arith.constant 0 : i32
    %dma_wait3A_217 = arith.constant 0 : i32
    %dma_wait3A_218 = tpu.memref_slice %arg2[%dma_wait3A_216, %dma_wait3A_217] : memref<10000x128xf32, #tpu.memory_space<hbm>> -> memref<64x128xf32, #tpu.memory_space<hbm>>
    tpu.wait_dma2 semaphore(%arg27 : memref<!tpu.dma_semaphore, #tpu.memory_space<semaphore_mem>>) src(%dma_wait3A_218 : memref<64x128xf32, #tpu.memory_space<hbm>>) dst(%arg14 : memref<64x128xf32, #tpu.memory_space<vmem>>)
    %dma_wait3A_219 = arith.constant 0 : i32
    %dma_wait3A_220 = arith.constant 0 : i32
    %dma_wait3A_221 = tpu.memref_slice %arg2[%dma_wait3A_219, %dma_wait3A_220] : memref<10000x128xf32, #tpu.memory_space<hbm>> -> memref<64x128xf32, #tpu.memory_space<hbm>>
    %dma_wait3A_222 = arith.constant 0 : i32
    %dma_wait3A_223 = arith.constant 0 : i32
    %dma_wait3A_224 = tpu.memref_slice %arg2[%dma_wait3A_222, %dma_wait3A_223] : memref<10000x128xf32, #tpu.memory_space<hbm>> -> memref<64x128xf32, #tpu.memory_space<hbm>>
    tpu.wait_dma2 semaphore(%arg28 : memref<!tpu.dma_semaphore, #tpu.memory_space<semaphore_mem>>) src(%dma_wait3A_224 : memref<64x128xf32, #tpu.memory_space<hbm>>) dst(%arg15 : memref<64x128xf32, #tpu.memory_space<vmem>>)
    %barrier3A_225 = arith.constant 0 : index
    tpu.barrier barrier_id(%barrier3A_225)
    "tpu.region"() ({
      %run_scoped3A = tpu.sem_alloc : memref<!tpu.dma_semaphore, #tpu.memory_space<semaphore_mem>>
      %dma_start3A_231 = arith.constant 0 : i32
      %dma_start3A_232 = tpu.memref_slice %arg4[%arg0, %mul3A_2, %dma_start3A_231] : memref<2x10000x128xf32, #tpu.memory_space<hbm>> -> memref<1x624x128xf32, #tpu.memory_space<hbm>>
      %dma_start3A_233 = tpu.memref_squeeze %dma_start3A_232 : memref<1x624x128xf32, #tpu.memory_space<hbm>> -> memref<624x128xf32, #tpu.memory_space<hbm>>
      %dma_start3A_234 = arith.constant 0 : i32
      %dma_start3A_235 = tpu.memref_slice %arg16[%mul3A_2, %dma_start3A_234] : memref<10000x128xf32, #tpu.memory_space<vmem_shared>> -> memref<624x128xf32, #tpu.memory_space<vmem_shared>>
      tpu.enqueue_dma source(%dma_start3A_235 : memref<624x128xf32, #tpu.memory_space<vmem_shared>>) target(%dma_start3A_233 : memref<624x128xf32, #tpu.memory_space<hbm>>) target_semaphore(%run_scoped3A : memref<!tpu.dma_semaphore, #tpu.memory_space<semaphore_mem>>)
      %dma_wait3A_236 = arith.constant 0 : i32
      %dma_wait3A_237 = tpu.memref_slice %arg4[%arg0, %mul3A_2, %dma_wait3A_236] : memref<2x10000x128xf32, #tpu.memory_space<hbm>> -> memref<1x624x128xf32, #tpu.memory_space<hbm>>
      %dma_wait3A_238 = tpu.memref_squeeze %dma_wait3A_237 : memref<1x624x128xf32, #tpu.memory_space<hbm>> -> memref<624x128xf32, #tpu.memory_space<hbm>>
      %dma_wait3A_239 = arith.constant 0 : i32
      %dma_wait3A_240 = tpu.memref_slice %arg16[%mul3A_2, %dma_wait3A_239] : memref<10000x128xf32, #tpu.memory_space<vmem_shared>> -> memref<624x128xf32, #tpu.memory_space<vmem_shared>>
      tpu.wait_dma2 semaphore(%run_scoped3A : memref<!tpu.dma_semaphore, #tpu.memory_space<semaphore_mem>>) src(%dma_wait3A_240 : memref<624x128xf32, #tpu.memory_space<vmem_shared>>) dst(%dma_wait3A_238 : memref<624x128xf32, #tpu.memory_space<hbm>>)
      tpu.yield
    }) : () -> ()
    %eq3A_226 = arith.constant 0 : i32
    %eq3A_227 = arith.cmpi eq, %arg1, %eq3A_226 : i32
    %convert_element_type3A_228 = arith.extui %eq3A_227 : i1 to i32
    %cond3A_229 = arith.constant 0 : i32
    %cond3A_230 = arith.cmpi ne, %convert_element_type3A_228, %cond3A_229 : i32
    scf.if %cond3A_230 {
      "tpu.region"() ({
        %run_scoped3A = tpu.sem_alloc : memref<!tpu.dma_semaphore, #tpu.memory_space<semaphore_mem>>
        %dma_start3A_231 = arith.constant 9984 : i32
        %dma_start3A_232 = arith.constant 0 : i32
        %dma_start3A_233 = tpu.memref_slice %arg4[%arg0, %dma_start3A_231, %dma_start3A_232] : memref<2x10000x128xf32, #tpu.memory_space<hbm>> -> memref<1x16x128xf32, #tpu.memory_space<hbm>>
        %dma_start3A_234 = tpu.memref_squeeze %dma_start3A_233 : memref<1x16x128xf32, #tpu.memory_space<hbm>> -> memref<16x128xf32, #tpu.memory_space<hbm>>
        %dma_start3A_235 = arith.constant 9984 : i32
        %dma_start3A_236 = arith.constant 0 : i32
        %dma_start3A_237 = tpu.memref_slice %arg16[%dma_start3A_235, %dma_start3A_236] : memref<10000x128xf32, #tpu.memory_space<vmem_shared>> -> memref<16x128xf32, #tpu.memory_space<vmem_shared>>
        tpu.enqueue_dma source(%dma_start3A_237 : memref<16x128xf32, #tpu.memory_space<vmem_shared>>) target(%dma_start3A_234 : memref<16x128xf32, #tpu.memory_space<hbm>>) target_semaphore(%run_scoped3A : memref<!tpu.dma_semaphore, #tpu.memory_space<semaphore_mem>>)
        %dma_wait3A_238 = arith.constant 9984 : i32
        %dma_wait3A_239 = arith.constant 0 : i32
        %dma_wait3A_240 = tpu.memref_slice %arg4[%arg0, %dma_wait3A_238, %dma_wait3A_239] : memref<2x10000x128xf32, #tpu.memory_space<hbm>> -> memref<1x16x128xf32, #tpu.memory_space<hbm>>
        %dma_wait3A_241 = tpu.memref_squeeze %dma_wait3A_240 : memref<1x16x128xf32, #tpu.memory_space<hbm>> -> memref<16x128xf32, #tpu.memory_space<hbm>>
        %dma_wait3A_242 = arith.constant 9984 : i32
        %dma_wait3A_243 = arith.constant 0 : i32
        %dma_wait3A_244 = tpu.memref_slice %arg16[%dma_wait3A_242, %dma_wait3A_243] : memref<10000x128xf32, #tpu.memory_space<vmem_shared>> -> memref<16x128xf32, #tpu.memory_space<vmem_shared>>
        tpu.wait_dma2 semaphore(%run_scoped3A : memref<!tpu.dma_semaphore, #tpu.memory_space<semaphore_mem>>) src(%dma_wait3A_244 : memref<16x128xf32, #tpu.memory_space<vmem_shared>>) dst(%dma_wait3A_241 : memref<16x128xf32, #tpu.memory_space<hbm>>)
        tpu.yield
      }) : () -> ()
    } else {
    }
    return
  }
}

#map = affine_map<(d0, d1) -> (0, 0)>
#map1 = affine_map<(d0, d1) -> (0)>
module attributes {stable_mosaic.version = 14 : i64} {
  func.func @_deg_kernel(%arg0: i32, %arg1: i32, %arg2: memref<2x320000xi32, #tpu.memory_space<hbm>>, %arg3: memref<320000xf32, #tpu.memory_space<hbm>>, %arg4: memref<2x10112xi32, #tpu.memory_space<vmem>>, %arg5: memref<10000xf32, #tpu.memory_space<vmem>>, %arg6: memref<!tpu.dma_semaphore, #tpu.memory_space<semaphore_mem>>, %arg7: memref<!tpu.dma_semaphore, #tpu.memory_space<semaphore_mem>>) attributes {dimension_semantics = [#tpu.dimension_semantics<core_parallel>, #tpu.dimension_semantics<subcore_parallel>], iteration_bounds = array<i64: 2, 16>, scalar_prefetch = 0 : i64, scratch_operands = 4 : i64, tpu.core_type = #tpu.core_type<sc_vector_subcore>, window_params = [{transform_indices = #map}, {transform_indices = #map1}]} {
    %mul3A = arith.constant 2 : i32
    %mul3A_0 = arith.muli %arg1, %mul3A : i32
    %add3A = arith.addi %mul3A_0, %arg0 : i32
    %mul3A_1 = arith.constant 9984 : i32
    %mul3A_2 = arith.muli %add3A, %mul3A_1 : i32
    %min3A = arith.constant 4 : i32
    %min3A_3 = arith.minsi %add3A, %min3A : i32
    %mul3A_4 = arith.constant 128 : i32
    %mul3A_5 = arith.muli %min3A_3, %mul3A_4 : i32
    %add3A_6 = arith.addi %mul3A_2, %mul3A_5 : i32
    %lt3A = arith.constant 4 : i32
    %lt3A_7 = arith.cmpi slt, %add3A, %lt3A : i32
    %jit3A = arith.constant 1 : i32
    %jit3A_8 = arith.constant 0 : i32
    %select_n3A = arith.select %lt3A_7, %jit3A, %jit3A_8 : i32
    %add3A_9 = arith.constant 78 : i32
    %add3A_10 = arith.addi %add3A_9, %select_n3A : i32
    %dma_start3A = arith.constant 0 : i32
    %dma_start3A_11 = arith.constant 0 : i32
    %dma_start3A_12 = tpu.memref_slice %arg4[%dma_start3A, %dma_start3A_11] : memref<2x10112xi32, #tpu.memory_space<vmem>> -> memref<2x9984xi32, #tpu.memory_space<vmem>>
    %dma_start3A_13 = arith.constant 0 : i32
    %dma_start3A_14 = tpu.memref_slice %arg2[%dma_start3A_13, %add3A_6] : memref<2x320000xi32, #tpu.memory_space<hbm>> -> memref<2x9984xi32, #tpu.memory_space<hbm>>
    %dma_start3A_15 = arith.constant 0 : i32
    %dma_start3A_16 = arith.constant 0 : i32
    %dma_start3A_17 = tpu.memref_slice %arg4[%dma_start3A_15, %dma_start3A_16] : memref<2x10112xi32, #tpu.memory_space<vmem>> -> memref<2x9984xi32, #tpu.memory_space<vmem>>
    %dma_start3A_18 = arith.constant 0 : i32
    %dma_start3A_19 = tpu.memref_slice %arg2[%dma_start3A_18, %add3A_6] : memref<2x320000xi32, #tpu.memory_space<hbm>> -> memref<2x9984xi32, #tpu.memory_space<hbm>>
    tpu.enqueue_dma source(%dma_start3A_19 : memref<2x9984xi32, #tpu.memory_space<hbm>>) target(%dma_start3A_17 : memref<2x9984xi32, #tpu.memory_space<vmem>>) target_semaphore(%arg6 : memref<!tpu.dma_semaphore, #tpu.memory_space<semaphore_mem>>)
    %lt3A_20 = arith.constant 4 : i32
    %lt3A_21 = arith.cmpi slt, %add3A, %lt3A_20 : i32
    %convert_element_type3A = arith.extui %lt3A_21 : i1 to i32
    %cond3A = arith.constant 0 : i32
    %cond3A_22 = arith.cmpi ne, %convert_element_type3A, %cond3A : i32
    scf.if %cond3A_22 {
      %add3A_54 = arith.constant 9984 : i32
      %add3A_55 = arith.addi %add3A_6, %add3A_54 : i32
      %dma_start3A_56 = arith.constant 0 : i32
      %dma_start3A_57 = arith.constant 9984 : i32
      %dma_start3A_58 = tpu.memref_slice %arg4[%dma_start3A_56, %dma_start3A_57] : memref<2x10112xi32, #tpu.memory_space<vmem>> -> memref<2x128xi32, #tpu.memory_space<vmem>>
      %dma_start3A_59 = arith.constant 0 : i32
      %dma_start3A_60 = tpu.memref_slice %arg2[%dma_start3A_59, %add3A_55] : memref<2x320000xi32, #tpu.memory_space<hbm>> -> memref<2x128xi32, #tpu.memory_space<hbm>>
      %dma_start3A_61 = arith.constant 0 : i32
      %dma_start3A_62 = arith.constant 9984 : i32
      %dma_start3A_63 = tpu.memref_slice %arg4[%dma_start3A_61, %dma_start3A_62] : memref<2x10112xi32, #tpu.memory_space<vmem>> -> memref<2x128xi32, #tpu.memory_space<vmem>>
      %dma_start3A_64 = arith.constant 0 : i32
      %dma_start3A_65 = tpu.memref_slice %arg2[%dma_start3A_64, %add3A_55] : memref<2x320000xi32, #tpu.memory_space<hbm>> -> memref<2x128xi32, #tpu.memory_space<hbm>>
      tpu.enqueue_dma source(%dma_start3A_65 : memref<2x128xi32, #tpu.memory_space<hbm>>) target(%dma_start3A_63 : memref<2x128xi32, #tpu.memory_space<vmem>>) target_semaphore(%arg7 : memref<!tpu.dma_semaphore, #tpu.memory_space<semaphore_mem>>)
      %dma_wait3A_66 = arith.constant 0 : i32
      %dma_wait3A_67 = arith.constant 9984 : i32
      %dma_wait3A_68 = tpu.memref_slice %arg4[%dma_wait3A_66, %dma_wait3A_67] : memref<2x10112xi32, #tpu.memory_space<vmem>> -> memref<2x128xi32, #tpu.memory_space<vmem>>
      %dma_wait3A_69 = arith.constant 0 : i32
      %dma_wait3A_70 = tpu.memref_slice %arg2[%dma_wait3A_69, %add3A_55] : memref<2x320000xi32, #tpu.memory_space<hbm>> -> memref<2x128xi32, #tpu.memory_space<hbm>>
      %dma_wait3A_71 = arith.constant 0 : i32
      %dma_wait3A_72 = arith.constant 9984 : i32
      %dma_wait3A_73 = tpu.memref_slice %arg4[%dma_wait3A_71, %dma_wait3A_72] : memref<2x10112xi32, #tpu.memory_space<vmem>> -> memref<2x128xi32, #tpu.memory_space<vmem>>
      %dma_wait3A_74 = arith.constant 0 : i32
      %dma_wait3A_75 = tpu.memref_slice %arg2[%dma_wait3A_74, %add3A_55] : memref<2x320000xi32, #tpu.memory_space<hbm>> -> memref<2x128xi32, #tpu.memory_space<hbm>>
      tpu.wait_dma2 semaphore(%arg7 : memref<!tpu.dma_semaphore, #tpu.memory_space<semaphore_mem>>) src(%dma_wait3A_75 : memref<2x128xi32, #tpu.memory_space<hbm>>) dst(%dma_wait3A_73 : memref<2x128xi32, #tpu.memory_space<vmem>>)
    } else {
    }
    %broadcast_in_dim3A = arith.constant 0.000000e+00 : f32
    %broadcast_in_dim3A_23 = vector.broadcast %broadcast_in_dim3A : f32 to vector<16xf32>
    %broadcast_in_dim3A_24 = arith.constant 1.000000e+00 : f32
    %broadcast_in_dim3A_25 = vector.broadcast %broadcast_in_dim3A_24 : f32 to vector<16xf32>
    %scan3A = arith.constant 0 : i32
    %scan3A_26 = arith.constant 0 : i32
    %scan3A_27 = arith.constant 625 : i32
    %scan3A_28 = arith.addi %scan3A_26, %scan3A_27 : i32
    %scan3A_29 = arith.constant 1 : i32
    %scan3A_30 = scf.for %scan3A_54 = %scan3A_26 to %scan3A_28 step %scan3A_29 iter_args(%scan3A_55 = %scan3A) -> (i32)  : i32 {
      %mul3A_56 = arith.constant 16 : i32
      %mul3A_57 = arith.muli %scan3A_54, %mul3A_56 : i32
      %swap3A = arith.index_cast %mul3A_57 : i32 to index
      %swap3A_58 = tpu.vector_load %arg5[%swap3A] {strides = array<i32>} : memref<10000xf32, #tpu.memory_space<vmem>>, vector<16xf32>,
      tpu.vector_store %arg5[%swap3A], %broadcast_in_dim3A_23 {strides = array<i32>} : memref<10000xf32, #tpu.memory_space<vmem>>, vector<16xf32>,
      %scan3A_59 = arith.constant 0 : i32
      scf.yield %scan3A_59 : i32
    }
    %scan3A_31 = arith.constant 625 : i32
    %dma_wait3A = arith.constant 0 : i32
    %dma_wait3A_32 = arith.constant 0 : i32
    %dma_wait3A_33 = tpu.memref_slice %arg4[%dma_wait3A, %dma_wait3A_32] : memref<2x10112xi32, #tpu.memory_space<vmem>> -> memref<2x9984xi32, #tpu.memory_space<vmem>>
    %dma_wait3A_34 = arith.constant 0 : i32
    %dma_wait3A_35 = tpu.memref_slice %arg2[%dma_wait3A_34, %add3A_6] : memref<2x320000xi32, #tpu.memory_space<hbm>> -> memref<2x9984xi32, #tpu.memory_space<hbm>>
    %dma_wait3A_36 = arith.constant 0 : i32
    %dma_wait3A_37 = arith.constant 0 : i32
    %dma_wait3A_38 = tpu.memref_slice %arg4[%dma_wait3A_36, %dma_wait3A_37] : memref<2x10112xi32, #tpu.memory_space<vmem>> -> memref<2x9984xi32, #tpu.memory_space<vmem>>
    %dma_wait3A_39 = arith.constant 0 : i32
    %dma_wait3A_40 = tpu.memref_slice %arg2[%dma_wait3A_39, %add3A_6] : memref<2x320000xi32, #tpu.memory_space<hbm>> -> memref<2x9984xi32, #tpu.memory_space<hbm>>
    tpu.wait_dma2 semaphore(%arg6 : memref<!tpu.dma_semaphore, #tpu.memory_space<semaphore_mem>>) src(%dma_wait3A_40 : memref<2x9984xi32, #tpu.memory_space<hbm>>) dst(%dma_wait3A_38 : memref<2x9984xi32, #tpu.memory_space<vmem>>)
    %while3A = arith.constant 0 : i32
    %while3A_41 = arith.constant 0 : i32
    %while3A_42 = arith.subi %add3A_10, %while3A : i32
    %while3A_43 = arith.addi %while3A, %while3A_42 : i32
    %while3A_44 = arith.constant 1 : i32
    %while3A_45 = arith.divsi %while3A_42, %while3A_44 : i32
    %while3A_46 = arith.muli %while3A_45, %while3A_44 : i32
    %while3A_47 = arith.addi %while3A, %while3A_46 : i32
    %while3A_48 = arith.constant 1 : i32
    %while3A_49 = scf.for %while3A_54 = %while3A to %while3A_47 step %while3A_48 iter_args(%while3A_55 = %while3A_41) -> (i32)  : i32 {
      %mul3A_56 = arith.constant 128 : i32
      %mul3A_57 = arith.muli %while3A_54, %mul3A_56 : i32
      %add3A_58 = arith.constant 0 : i32
      %add3A_59 = arith.addi %mul3A_57, %add3A_58 : i32
      %get3A = arith.constant 1 : i32
      %get3A_60 = arith.index_cast %get3A : i32 to index
      %get3A_61 = arith.index_cast %add3A_59 : i32 to index
      %get3A_62 = tpu.vector_load %arg4[%get3A_60, %get3A_61] {strides = array<i32>} : memref<2x10112xi32, #tpu.memory_space<vmem>>, vector<16xi32>,
      tpu.vector_store_idx %arg5[%get3A_62], %broadcast_in_dim3A_25 {add = true} : memref<10000xf32, #tpu.memory_space<vmem>>[vector<16xi32>], vector<16xf32>,
      %mul3A_63 = arith.constant 128 : i32
      %mul3A_64 = arith.muli %while3A_54, %mul3A_63 : i32
      %add3A_65 = arith.constant 16 : i32
      %add3A_66 = arith.addi %mul3A_64, %add3A_65 : i32
      %get3A_67 = arith.constant 1 : i32
      %get3A_68 = arith.index_cast %get3A_67 : i32 to index
      %get3A_69 = arith.index_cast %add3A_66 : i32 to index
      %get3A_70 = tpu.vector_load %arg4[%get3A_68, %get3A_69] {strides = array<i32>} : memref<2x10112xi32, #tpu.memory_space<vmem>>, vector<16xi32>,
      tpu.vector_store_idx %arg5[%get3A_70], %broadcast_in_dim3A_25 {add = true} : memref<10000xf32, #tpu.memory_space<vmem>>[vector<16xi32>], vector<16xf32>,
      %mul3A_71 = arith.constant 128 : i32
      %mul3A_72 = arith.muli %while3A_54, %mul3A_71 : i32
      %add3A_73 = arith.constant 32 : i32
      %add3A_74 = arith.addi %mul3A_72, %add3A_73 : i32
      %get3A_75 = arith.constant 1 : i32
      %get3A_76 = arith.index_cast %get3A_75 : i32 to index
      %get3A_77 = arith.index_cast %add3A_74 : i32 to index
      %get3A_78 = tpu.vector_load %arg4[%get3A_76, %get3A_77] {strides = array<i32>} : memref<2x10112xi32, #tpu.memory_space<vmem>>, vector<16xi32>,
      tpu.vector_store_idx %arg5[%get3A_78], %broadcast_in_dim3A_25 {add = true} : memref<10000xf32, #tpu.memory_space<vmem>>[vector<16xi32>], vector<16xf32>,
      %mul3A_79 = arith.constant 128 : i32
      %mul3A_80 = arith.muli %while3A_54, %mul3A_79 : i32
      %add3A_81 = arith.constant 48 : i32
      %add3A_82 = arith.addi %mul3A_80, %add3A_81 : i32
      %get3A_83 = arith.constant 1 : i32
      %get3A_84 = arith.index_cast %get3A_83 : i32 to index
      %get3A_85 = arith.index_cast %add3A_82 : i32 to index
      %get3A_86 = tpu.vector_load %arg4[%get3A_84, %get3A_85] {strides = array<i32>} : memref<2x10112xi32, #tpu.memory_space<vmem>>, vector<16xi32>,
      tpu.vector_store_idx %arg5[%get3A_86], %broadcast_in_dim3A_25 {add = true} : memref<10000xf32, #tpu.memory_space<vmem>>[vector<16xi32>], vector<16xf32>,
      %mul3A_87 = arith.constant 128 : i32
      %mul3A_88 = arith.muli %while3A_54, %mul3A_87 : i32
      %add3A_89 = arith.constant 64 : i32
      %add3A_90 = arith.addi %mul3A_88, %add3A_89 : i32
      %get3A_91 = arith.constant 1 : i32
      %get3A_92 = arith.index_cast %get3A_91 : i32 to index
      %get3A_93 = arith.index_cast %add3A_90 : i32 to index
      %get3A_94 = tpu.vector_load %arg4[%get3A_92, %get3A_93] {strides = array<i32>} : memref<2x10112xi32, #tpu.memory_space<vmem>>, vector<16xi32>,
      tpu.vector_store_idx %arg5[%get3A_94], %broadcast_in_dim3A_25 {add = true} : memref<10000xf32, #tpu.memory_space<vmem>>[vector<16xi32>], vector<16xf32>,
      %mul3A_95 = arith.constant 128 : i32
      %mul3A_96 = arith.muli %while3A_54, %mul3A_95 : i32
      %add3A_97 = arith.constant 80 : i32
      %add3A_98 = arith.addi %mul3A_96, %add3A_97 : i32
      %get3A_99 = arith.constant 1 : i32
      %get3A_100 = arith.index_cast %get3A_99 : i32 to index
      %get3A_101 = arith.index_cast %add3A_98 : i32 to index
      %get3A_102 = tpu.vector_load %arg4[%get3A_100, %get3A_101] {strides = array<i32>} : memref<2x10112xi32, #tpu.memory_space<vmem>>, vector<16xi32>,
      tpu.vector_store_idx %arg5[%get3A_102], %broadcast_in_dim3A_25 {add = true} : memref<10000xf32, #tpu.memory_space<vmem>>[vector<16xi32>], vector<16xf32>,
      %mul3A_103 = arith.constant 128 : i32
      %mul3A_104 = arith.muli %while3A_54, %mul3A_103 : i32
      %add3A_105 = arith.constant 96 : i32
      %add3A_106 = arith.addi %mul3A_104, %add3A_105 : i32
      %get3A_107 = arith.constant 1 : i32
      %get3A_108 = arith.index_cast %get3A_107 : i32 to index
      %get3A_109 = arith.index_cast %add3A_106 : i32 to index
      %get3A_110 = tpu.vector_load %arg4[%get3A_108, %get3A_109] {strides = array<i32>} : memref<2x10112xi32, #tpu.memory_space<vmem>>, vector<16xi32>,
      tpu.vector_store_idx %arg5[%get3A_110], %broadcast_in_dim3A_25 {add = true} : memref<10000xf32, #tpu.memory_space<vmem>>[vector<16xi32>], vector<16xf32>,
      %mul3A_111 = arith.constant 128 : i32
      %mul3A_112 = arith.muli %while3A_54, %mul3A_111 : i32
      %add3A_113 = arith.constant 112 : i32
      %add3A_114 = arith.addi %mul3A_112, %add3A_113 : i32
      %get3A_115 = arith.constant 1 : i32
      %get3A_116 = arith.index_cast %get3A_115 : i32 to index
      %get3A_117 = arith.index_cast %add3A_114 : i32 to index
      %get3A_118 = tpu.vector_load %arg4[%get3A_116, %get3A_117] {strides = array<i32>} : memref<2x10112xi32, #tpu.memory_space<vmem>>, vector<16xi32>,
      tpu.vector_store_idx %arg5[%get3A_118], %broadcast_in_dim3A_25 {add = true} : memref<10000xf32, #tpu.memory_space<vmem>>[vector<16xi32>], vector<16xf32>,
      %while3A_119 = arith.constant 0 : i32
      scf.yield %while3A_119 : i32
    }
    %while3A_50 = arith.constant 1 : i32
    %while3A_51 = scf.for %while3A_54 = %while3A_47 to %while3A_43 step %while3A_50 iter_args(%while3A_55 = %while3A_49) -> (i32)  : i32 {
      %mul3A_56 = arith.constant 128 : i32
      %mul3A_57 = arith.muli %while3A_54, %mul3A_56 : i32
      %add3A_58 = arith.constant 0 : i32
      %add3A_59 = arith.addi %mul3A_57, %add3A_58 : i32
      %get3A = arith.constant 1 : i32
      %get3A_60 = arith.index_cast %get3A : i32 to index
      %get3A_61 = arith.index_cast %add3A_59 : i32 to index
      %get3A_62 = tpu.vector_load %arg4[%get3A_60, %get3A_61] {strides = array<i32>} : memref<2x10112xi32, #tpu.memory_space<vmem>>, vector<16xi32>,
      tpu.vector_store_idx %arg5[%get3A_62], %broadcast_in_dim3A_25 {add = true} : memref<10000xf32, #tpu.memory_space<vmem>>[vector<16xi32>], vector<16xf32>,
      %mul3A_63 = arith.constant 128 : i32
      %mul3A_64 = arith.muli %while3A_54, %mul3A_63 : i32
      %add3A_65 = arith.constant 16 : i32
      %add3A_66 = arith.addi %mul3A_64, %add3A_65 : i32
      %get3A_67 = arith.constant 1 : i32
      %get3A_68 = arith.index_cast %get3A_67 : i32 to index
      %get3A_69 = arith.index_cast %add3A_66 : i32 to index
      %get3A_70 = tpu.vector_load %arg4[%get3A_68, %get3A_69] {strides = array<i32>} : memref<2x10112xi32, #tpu.memory_space<vmem>>, vector<16xi32>,
      tpu.vector_store_idx %arg5[%get3A_70], %broadcast_in_dim3A_25 {add = true} : memref<10000xf32, #tpu.memory_space<vmem>>[vector<16xi32>], vector<16xf32>,
      %mul3A_71 = arith.constant 128 : i32
      %mul3A_72 = arith.muli %while3A_54, %mul3A_71 : i32
      %add3A_73 = arith.constant 32 : i32
      %add3A_74 = arith.addi %mul3A_72, %add3A_73 : i32
      %get3A_75 = arith.constant 1 : i32
      %get3A_76 = arith.index_cast %get3A_75 : i32 to index
      %get3A_77 = arith.index_cast %add3A_74 : i32 to index
      %get3A_78 = tpu.vector_load %arg4[%get3A_76, %get3A_77] {strides = array<i32>} : memref<2x10112xi32, #tpu.memory_space<vmem>>, vector<16xi32>,
      tpu.vector_store_idx %arg5[%get3A_78], %broadcast_in_dim3A_25 {add = true} : memref<10000xf32, #tpu.memory_space<vmem>>[vector<16xi32>], vector<16xf32>,
      %mul3A_79 = arith.constant 128 : i32
      %mul3A_80 = arith.muli %while3A_54, %mul3A_79 : i32
      %add3A_81 = arith.constant 48 : i32
      %add3A_82 = arith.addi %mul3A_80, %add3A_81 : i32
      %get3A_83 = arith.constant 1 : i32
      %get3A_84 = arith.index_cast %get3A_83 : i32 to index
      %get3A_85 = arith.index_cast %add3A_82 : i32 to index
      %get3A_86 = tpu.vector_load %arg4[%get3A_84, %get3A_85] {strides = array<i32>} : memref<2x10112xi32, #tpu.memory_space<vmem>>, vector<16xi32>,
      tpu.vector_store_idx %arg5[%get3A_86], %broadcast_in_dim3A_25 {add = true} : memref<10000xf32, #tpu.memory_space<vmem>>[vector<16xi32>], vector<16xf32>,
      %mul3A_87 = arith.constant 128 : i32
      %mul3A_88 = arith.muli %while3A_54, %mul3A_87 : i32
      %add3A_89 = arith.constant 64 : i32
      %add3A_90 = arith.addi %mul3A_88, %add3A_89 : i32
      %get3A_91 = arith.constant 1 : i32
      %get3A_92 = arith.index_cast %get3A_91 : i32 to index
      %get3A_93 = arith.index_cast %add3A_90 : i32 to index
      %get3A_94 = tpu.vector_load %arg4[%get3A_92, %get3A_93] {strides = array<i32>} : memref<2x10112xi32, #tpu.memory_space<vmem>>, vector<16xi32>,
      tpu.vector_store_idx %arg5[%get3A_94], %broadcast_in_dim3A_25 {add = true} : memref<10000xf32, #tpu.memory_space<vmem>>[vector<16xi32>], vector<16xf32>,
      %mul3A_95 = arith.constant 128 : i32
      %mul3A_96 = arith.muli %while3A_54, %mul3A_95 : i32
      %add3A_97 = arith.constant 80 : i32
      %add3A_98 = arith.addi %mul3A_96, %add3A_97 : i32
      %get3A_99 = arith.constant 1 : i32
      %get3A_100 = arith.index_cast %get3A_99 : i32 to index
      %get3A_101 = arith.index_cast %add3A_98 : i32 to index
      %get3A_102 = tpu.vector_load %arg4[%get3A_100, %get3A_101] {strides = array<i32>} : memref<2x10112xi32, #tpu.memory_space<vmem>>, vector<16xi32>,
      tpu.vector_store_idx %arg5[%get3A_102], %broadcast_in_dim3A_25 {add = true} : memref<10000xf32, #tpu.memory_space<vmem>>[vector<16xi32>], vector<16xf32>,
      %mul3A_103 = arith.constant 128 : i32
      %mul3A_104 = arith.muli %while3A_54, %mul3A_103 : i32
      %add3A_105 = arith.constant 96 : i32
      %add3A_106 = arith.addi %mul3A_104, %add3A_105 : i32
      %get3A_107 = arith.constant 1 : i32
      %get3A_108 = arith.index_cast %get3A_107 : i32 to index
      %get3A_109 = arith.index_cast %add3A_106 : i32 to index
      %get3A_110 = tpu.vector_load %arg4[%get3A_108, %get3A_109] {strides = array<i32>} : memref<2x10112xi32, #tpu.memory_space<vmem>>, vector<16xi32>,
      tpu.vector_store_idx %arg5[%get3A_110], %broadcast_in_dim3A_25 {add = true} : memref<10000xf32, #tpu.memory_space<vmem>>[vector<16xi32>], vector<16xf32>,
      %mul3A_111 = arith.constant 128 : i32
      %mul3A_112 = arith.muli %while3A_54, %mul3A_111 : i32
      %add3A_113 = arith.constant 112 : i32
      %add3A_114 = arith.addi %mul3A_112, %add3A_113 : i32
      %get3A_115 = arith.constant 1 : i32
      %get3A_116 = arith.index_cast %get3A_115 : i32 to index
      %get3A_117 = arith.index_cast %add3A_114 : i32 to index
      %get3A_118 = tpu.vector_load %arg4[%get3A_116, %get3A_117] {strides = array<i32>} : memref<2x10112xi32, #tpu.memory_space<vmem>>, vector<16xi32>,
      tpu.vector_store_idx %arg5[%get3A_118], %broadcast_in_dim3A_25 {add = true} : memref<10000xf32, #tpu.memory_space<vmem>>[vector<16xi32>], vector<16xf32>,
      %while3A_119 = arith.constant 0 : i32
      scf.yield %while3A_119 : i32
    }
    %mul3A_52 = arith.constant 10000 : i32
    %mul3A_53 = arith.muli %add3A, %mul3A_52 : i32
    "tpu.region"() ({
      %run_scoped3A = tpu.sem_alloc : memref<!tpu.dma_semaphore, #tpu.memory_space<semaphore_mem>>
      %dma_start3A_54 = tpu.memref_slice %arg3[%mul3A_53] : memref<320000xf32, #tpu.memory_space<hbm>> -> memref<10000xf32, #tpu.memory_space<hbm>>
      %dma_start3A_55 = tpu.memref_slice %arg3[%mul3A_53] : memref<320000xf32, #tpu.memory_space<hbm>> -> memref<10000xf32, #tpu.memory_space<hbm>>
      tpu.enqueue_dma source(%arg5 : memref<10000xf32, #tpu.memory_space<vmem>>) target(%dma_start3A_55 : memref<10000xf32, #tpu.memory_space<hbm>>) target_semaphore(%run_scoped3A : memref<!tpu.dma_semaphore, #tpu.memory_space<semaphore_mem>>)
      %dma_wait3A_56 = tpu.memref_slice %arg3[%mul3A_53] : memref<320000xf32, #tpu.memory_space<hbm>> -> memref<10000xf32, #tpu.memory_space<hbm>>
      %dma_wait3A_57 = tpu.memref_slice %arg3[%mul3A_53] : memref<320000xf32, #tpu.memory_space<hbm>> -> memref<10000xf32, #tpu.memory_space<hbm>>
      tpu.wait_dma2 semaphore(%run_scoped3A : memref<!tpu.dma_semaphore, #tpu.memory_space<semaphore_mem>>) src(%arg5 : memref<10000xf32, #tpu.memory_space<vmem>>) dst(%dma_wait3A_57 : memref<10000xf32, #tpu.memory_space<hbm>>)
      tpu.yield
    }) : () -> ()
    return
  }
}

module attributes {stable_mosaic.version = 14 : i64} {
  func.func @_prep_body(%arg0: memref<32x10000xf32, #tpu.memory_space<vmem>>, %arg1: memref<10000x128xf32, #tpu.memory_space<vmem>>, %arg2: memref<10000x128xf32, #tpu.memory_space<vmem>>, %arg3: memref<10000x1xf32, #tpu.memory_space<vmem>>) attributes {dimension_semantics = [], scalar_prefetch = 0 : i64, scratch_operands = 0 : i64, tpu.core_type = #tpu.core_type<tc>} {
    %get3A = arith.constant 0 : index
    %get3A_0 = arith.constant 0 : index
    %get3A_1 = vector.load %arg0[%get3A, %get3A_0] : memref<32x10000xf32, #tpu.memory_space<vmem>>, vector<32x10000xf32>
    %reduce_sum3A = arith.constant dense<0.000000e+00> : vector<10000xf32>
    %reduce_sum3A_2 = vector.multi_reduction <add>, %get3A_1, %reduce_sum3A [0] : vector<32x10000xf32> to vector<10000xf32>
    %add3A = arith.constant 1.000000e+00 : f32
    %add3A_3 = vector.broadcast %add3A : f32 to vector<10000xf32>
    %add3A_4 = arith.addf %reduce_sum3A_2, %add3A_3 : vector<10000xf32>
    %rsqrt3A = math.rsqrt %add3A_4 : vector<10000xf32>
    %get3A_5 = arith.constant 0 : index
    %get3A_6 = arith.constant 0 : index
    %get3A_7 = vector.load %arg1[%get3A_5, %get3A_6] : memref<10000x128xf32, #tpu.memory_space<vmem>>, vector<10000x128xf32>
    %broadcast_in_dim3A = vector.shape_cast %rsqrt3A : vector<10000xf32> to vector<10000x1xf32>
    %mul3A = vector.broadcast %broadcast_in_dim3A : vector<10000x1xf32> to vector<10000x128xf32>
    %mul3A_8 = arith.mulf %get3A_7, %mul3A : vector<10000x128xf32>
    %swap3A = arith.constant 0 : index
    %swap3A_9 = arith.constant 0 : index
    %swap3A_10 = vector.load %arg2[%swap3A, %swap3A_9] : memref<10000x128xf32, #tpu.memory_space<vmem>>, vector<10000x128xf32>
    tpu.vector_store %arg2[%swap3A, %swap3A_9], %mul3A_8 {strides = array<i32>} : memref<10000x128xf32, #tpu.memory_space<vmem>>, vector<10000x128xf32>,
    %broadcast_in_dim3A_11 = vector.shape_cast %rsqrt3A : vector<10000xf32> to vector<10000x1xf32>
    %swap3A_12 = arith.constant 0 : index
    %swap3A_13 = arith.constant 0 : index
    %swap3A_14 = vector.load %arg3[%swap3A_12, %swap3A_13] : memref<10000x1xf32, #tpu.memory_space<vmem>>, vector<10000x1xf32>
    tpu.vector_store %arg3[%swap3A_12, %swap3A_13], %broadcast_in_dim3A_11 {strides = array<i32>} : memref<10000x1xf32, #tpu.memory_space<vmem>>, vector<10000x1xf32>,
    return
  }
}

module attributes {stable_mosaic.version = 14 : i64} {
  func.func @_out_body(%arg0: i32, %arg1: memref<2x2000x128xf32, #tpu.memory_space<vmem>>, %arg2: memref<2000x1xf32, #tpu.memory_space<vmem>>, %arg3: memref<4x128x128xf32, #tpu.memory_space<vmem>>, %arg4: memref<4x128xf32, #tpu.memory_space<vmem>>, %arg5: memref<2000x128xf32, #tpu.memory_space<vmem>>) attributes {dimension_semantics = [#tpu.dimension_semantics<arbitrary>], iteration_bounds = array<i64: 5>, scalar_prefetch = 0 : i64, scratch_operands = 0 : i64, tpu.core_type = #tpu.core_type<tc>, window_params = [{transform_indices = @transform_0, window_bounds = array<i64: 2, 2000, 128>}, {transform_indices = @transform_1, window_bounds = array<i64: 2000, 1>}, {pipeline_mode = #tpu.pipeline_mode<synchronous>, transform_indices = @transform_2, window_bounds = array<i64: 4, 128, 128>}, {pipeline_mode = #tpu.pipeline_mode<synchronous>, transform_indices = @transform_3, window_bounds = array<i64: 4, 128>}, {transform_indices = @transform_4, window_bounds = array<i64: 2000, 128>}]} {
    %get3A = arith.constant 0 : index
    %get3A_0 = arith.constant 0 : index
    %get3A_1 = arith.constant 0 : index
    %get3A_2 = vector.load %arg1[%get3A, %get3A_0, %get3A_1] : memref<2x2000x128xf32, #tpu.memory_space<vmem>>, vector<1x2000x128xf32>
    %get3A_3 = vector.shape_cast %get3A_2 : vector<1x2000x128xf32> to vector<2000x128xf32>
    %get3A_4 = arith.constant 1 : index
    %get3A_5 = arith.constant 0 : index
    %get3A_6 = arith.constant 0 : index
    %get3A_7 = vector.load %arg1[%get3A_4, %get3A_5, %get3A_6] : memref<2x2000x128xf32, #tpu.memory_space<vmem>>, vector<1x2000x128xf32>
    %get3A_8 = vector.shape_cast %get3A_7 : vector<1x2000x128xf32> to vector<2000x128xf32>
    %add3A = arith.addf %get3A_3, %get3A_8 : vector<2000x128xf32>
    %get3A_9 = arith.constant 0 : index
    %get3A_10 = arith.constant 0 : index
    %get3A_11 = vector.load %arg2[%get3A_9, %get3A_10] : memref<2000x1xf32, #tpu.memory_space<vmem>>, vector<2000x1xf32>
    %mul3A = vector.broadcast %get3A_11 : vector<2000x1xf32> to vector<2000x128xf32>
    %mul3A_12 = arith.mulf %add3A, %mul3A : vector<2000x128xf32>
    %get3A_13 = arith.constant 0 : index
    %get3A_14 = arith.constant 0 : index
    %get3A_15 = arith.constant 0 : index
    %get3A_16 = vector.load %arg3[%get3A_13, %get3A_14, %get3A_15] : memref<4x128x128xf32, #tpu.memory_space<vmem>>, vector<1x128x128xf32>
    %get3A_17 = vector.shape_cast %get3A_16 : vector<1x128x128xf32> to vector<128x128xf32>
    %dot_general3A = arith.constant dense<0.000000e+00> : vector<2000x128xf32>
    %dot_general3A_18 = tpu.matmul %mul3A_12, %get3A_17, %dot_general3A {dimension_numbers = #tpu.dot_dimension_numbers<[1], [0], [0], [1], [0, 0, 1, 1], [], []>, transpose_lhs_hint = false} : vector<2000x128xf32>, vector<128x128xf32>, vector<2000x128xf32> -> vector<2000x128xf32>
    %get3A_19 = arith.constant 0 : index
    %get3A_20 = arith.constant 0 : index
    %get3A_21 = vector.load %arg4[%get3A_19, %get3A_20] : memref<4x128xf32, #tpu.memory_space<vmem>>, vector<1x128xf32>
    %get3A_22 = vector.shape_cast %get3A_21 : vector<1x128xf32> to vector<128xf32>
    %broadcast_in_dim3A = vector.shape_cast %get3A_22 : vector<128xf32> to vector<1x128xf32>
    %add3A_23 = vector.broadcast %broadcast_in_dim3A : vector<1x128xf32> to vector<2000x128xf32>
    %add3A_24 = arith.addf %dot_general3A_18, %add3A_23 : vector<2000x128xf32>
    %max3A = arith.constant 0.000000e+00 : f32
    %max3A_25 = vector.broadcast %max3A : f32 to vector<2000x128xf32>
    %max3A_26 = arith.maximumf %add3A_24, %max3A_25 : vector<2000x128xf32>
    %get3A_27 = arith.constant 1 : index
    %get3A_28 = arith.constant 0 : index
    %get3A_29 = arith.constant 0 : index
    %get3A_30 = vector.load %arg3[%get3A_27, %get3A_28, %get3A_29] : memref<4x128x128xf32, #tpu.memory_space<vmem>>, vector<1x128x128xf32>
    %get3A_31 = vector.shape_cast %get3A_30 : vector<1x128x128xf32> to vector<128x128xf32>
    %dot_general3A_32 = arith.constant dense<0.000000e+00> : vector<2000x128xf32>
    %dot_general3A_33 = tpu.matmul %mul3A_12, %get3A_31, %dot_general3A_32 {dimension_numbers = #tpu.dot_dimension_numbers<[1], [0], [0], [1], [0, 0, 1, 1], [], []>, transpose_lhs_hint = false} : vector<2000x128xf32>, vector<128x128xf32>, vector<2000x128xf32> -> vector<2000x128xf32>
    %get3A_34 = arith.constant 1 : index
    %get3A_35 = arith.constant 0 : index
    %get3A_36 = vector.load %arg4[%get3A_34, %get3A_35] : memref<4x128xf32, #tpu.memory_space<vmem>>, vector<1x128xf32>
    %get3A_37 = vector.shape_cast %get3A_36 : vector<1x128xf32> to vector<128xf32>
    %broadcast_in_dim3A_38 = vector.shape_cast %get3A_37 : vector<128xf32> to vector<1x128xf32>
    %add3A_39 = vector.broadcast %broadcast_in_dim3A_38 : vector<1x128xf32> to vector<2000x128xf32>
    %add3A_40 = arith.addf %dot_general3A_33, %add3A_39 : vector<2000x128xf32>
    %max3A_41 = arith.constant 0.000000e+00 : f32
    %max3A_42 = vector.broadcast %max3A_41 : f32 to vector<2000x128xf32>
    %max3A_43 = arith.maximumf %add3A_40, %max3A_42 : vector<2000x128xf32>
    %add3A_44 = arith.addf %max3A_26, %max3A_43 : vector<2000x128xf32>
    %get3A_45 = arith.constant 2 : index
    %get3A_46 = arith.constant 0 : index
    %get3A_47 = arith.constant 0 : index
    %get3A_48 = vector.load %arg3[%get3A_45, %get3A_46, %get3A_47] : memref<4x128x128xf32, #tpu.memory_space<vmem>>, vector<1x128x128xf32>
    %get3A_49 = vector.shape_cast %get3A_48 : vector<1x128x128xf32> to vector<128x128xf32>
    %dot_general3A_50 = arith.constant dense<0.000000e+00> : vector<2000x128xf32>
    %dot_general3A_51 = tpu.matmul %mul3A_12, %get3A_49, %dot_general3A_50 {dimension_numbers = #tpu.dot_dimension_numbers<[1], [0], [0], [1], [0, 0, 1, 1], [], []>, transpose_lhs_hint = false} : vector<2000x128xf32>, vector<128x128xf32>, vector<2000x128xf32> -> vector<2000x128xf32>
    %get3A_52 = arith.constant 2 : index
    %get3A_53 = arith.constant 0 : index
    %get3A_54 = vector.load %arg4[%get3A_52, %get3A_53] : memref<4x128xf32, #tpu.memory_space<vmem>>, vector<1x128xf32>
    %get3A_55 = vector.shape_cast %get3A_54 : vector<1x128xf32> to vector<128xf32>
    %broadcast_in_dim3A_56 = vector.shape_cast %get3A_55 : vector<128xf32> to vector<1x128xf32>
    %add3A_57 = vector.broadcast %broadcast_in_dim3A_56 : vector<1x128xf32> to vector<2000x128xf32>
    %add3A_58 = arith.addf %dot_general3A_51, %add3A_57 : vector<2000x128xf32>
    %max3A_59 = arith.constant 0.000000e+00 : f32
    %max3A_60 = vector.broadcast %max3A_59 : f32 to vector<2000x128xf32>
    %max3A_61 = arith.maximumf %add3A_58, %max3A_60 : vector<2000x128xf32>
    %add3A_62 = arith.addf %add3A_44, %max3A_61 : vector<2000x128xf32>
    %get3A_63 = arith.constant 3 : index
    %get3A_64 = arith.constant 0 : index
    %get3A_65 = arith.constant 0 : index
    %get3A_66 = vector.load %arg3[%get3A_63, %get3A_64, %get3A_65] : memref<4x128x128xf32, #tpu.memory_space<vmem>>, vector<1x128x128xf32>
    %get3A_67 = vector.shape_cast %get3A_66 : vector<1x128x128xf32> to vector<128x128xf32>
    %dot_general3A_68 = arith.constant dense<0.000000e+00> : vector<2000x128xf32>
    %dot_general3A_69 = tpu.matmul %mul3A_12, %get3A_67, %dot_general3A_68 {dimension_numbers = #tpu.dot_dimension_numbers<[1], [0], [0], [1], [0, 0, 1, 1], [], []>, transpose_lhs_hint = false} : vector<2000x128xf32>, vector<128x128xf32>, vector<2000x128xf32> -> vector<2000x128xf32>
    %get3A_70 = arith.constant 3 : index
    %get3A_71 = arith.constant 0 : index
    %get3A_72 = vector.load %arg4[%get3A_70, %get3A_71] : memref<4x128xf32, #tpu.memory_space<vmem>>, vector<1x128xf32>
    %get3A_73 = vector.shape_cast %get3A_72 : vector<1x128xf32> to vector<128xf32>
    %broadcast_in_dim3A_74 = vector.shape_cast %get3A_73 : vector<128xf32> to vector<1x128xf32>
    %add3A_75 = vector.broadcast %broadcast_in_dim3A_74 : vector<1x128xf32> to vector<2000x128xf32>
    %add3A_76 = arith.addf %dot_general3A_69, %add3A_75 : vector<2000x128xf32>
    %max3A_77 = arith.constant 0.000000e+00 : f32
    %max3A_78 = vector.broadcast %max3A_77 : f32 to vector<2000x128xf32>
    %max3A_79 = arith.maximumf %add3A_76, %max3A_78 : vector<2000x128xf32>
    %add3A_80 = arith.addf %add3A_62, %max3A_79 : vector<2000x128xf32>
    %swap3A = arith.constant 0 : index
    %swap3A_81 = arith.constant 0 : index
    %swap3A_82 = vector.load %arg5[%swap3A, %swap3A_81] : memref<2000x128xf32, #tpu.memory_space<vmem>>, vector<2000x128xf32>
    tpu.vector_store %arg5[%swap3A, %swap3A_81], %add3A_80 {strides = array<i32>} : memref<2000x128xf32, #tpu.memory_space<vmem>>, vector<2000x128xf32>,
    return
  }
  func.func @transform_0(%arg0: i32) -> (i32, i32, i32) {
    %c0_i32 = arith.constant 0 : i32
    %c0_i32_0 = arith.constant 0 : i32
    %c0_i32_1 = arith.constant 0 : i32
    return %c0_i32, %arg0, %c0_i32_0 : i32, i32, i32
  }
  func.func @transform_1(%arg0: i32) -> (i32, i32) {
    %c0_i32 = arith.constant 0 : i32
    %c0_i32_0 = arith.constant 0 : i32
    return %arg0, %c0_i32 : i32, i32
  }
  func.func @transform_2(%arg0: i32) -> (i32, i32, i32) {
    %c0_i32 = arith.constant 0 : i32
    %c0_i32_0 = arith.constant 0 : i32
    %c0_i32_1 = arith.constant 0 : i32
    %c0_i32_2 = arith.constant 0 : i32
    return %c0_i32, %c0_i32_0, %c0_i32_1 : i32, i32, i32
  }
  func.func @transform_3(%arg0: i32) -> (i32, i32) {
    %c0_i32 = arith.constant 0 : i32
    %c0_i32_0 = arith.constant 0 : i32
    %c0_i32_1 = arith.constant 0 : i32
    return %c0_i32, %c0_i32_0 : i32, i32
  }
  func.func @transform_4(%arg0: i32) -> (i32, i32) {
    %c0_i32 = arith.constant 0 : i32
    %c0_i32_0 = arith.constant 0 : i32
    return %arg0, %c0_i32 : i32, i32
  }
}

</mosaic_0001>

<sc_bundles>
// kernel: kernel.6.cloned.1.call-start
scs
__scs_entry_jumppad:
0x0: {  	(pc) =	sbr.rel $0x88, $3  }
0x1: {  	(tag) =	ssettag $0x0;
	lr =	simm.s32 $0x1  }
0x2: {  	[smem:$0x3F9D] =	sst lr;
	_ =	strace $0xD0000000  }
0x3: {  	_ = 	snop  }
0x4: {  	_ = 	snop  }
0x5: {  	_ = 	snop  }
0x6: {  	_ = 	snop  }
0x7: {  	_ = 	snop  }
__scs_overlays_trampoline_lowered:
0x8: {  	[smem:$0x3FAC] =	sst s0  }
0x9: {  	[smem:$0x3FAD] =	sst s1  }
0xa: {  	[smem:$0x3FAE] =	sst s2  }
0xb: {  	[smem:$0x3FAF] =	sst s3  }
0xc: {  	[smem:$0x3FB0] =	sst s4  }
0xd: {  	[smem:$0x3FB1] =	sst s5  }
0xe: {  	[smem:$0x3FB2] =	sst s6  }
0xf: {  	[smem:$0x3FB3] =	sst s7  }
0x10: {  	[smem:$0x3FB4] =	sst s8  }
0x11: {  	[smem:$0x3FB5] =	sst s9;
	s0 =	simm.s32 @!p0 $0x0  }
0x12: {  	s1 =	sld [smem:$0x3F9B];
	s0 =	simm.s32 @p0 $0x1  }
0x13: {  	[smem:$0x3FB6] =	sst s0;
	s0 =	simm.s32 @!p1 $0x0  }
0x14: {  	s2 =	sld [smem:$0x3F9A];
	s0 =	simm.s32 @p1 $0x1  }
0x15: {  	[smem:$0x3FB7] =	sst s0;
	s0 =	simm.s32 @!p2 $0x0  }
0x16: {  	s3 =	sld [smem:$0x3FDB];
	s0 =	simm.s32 @p2 $0x1  }
0x17: {  	s4 =	simm.s32 $0x1BF5;
	[smem:$0x3FB9] =	sst s0  }
0x18: {  	s0 =	sld [smem:$0x3F9C];
	_ =	swait.ge [sflag:s4], $0x0  }
0x19: {  	s7 =	sld [smem:$0x3F9D]  }
0x1a: {  	s8 =	sadd.s32 $0xFFFFE003, lr  }
0x1b: {  	s9 =	sadd.s32 $0xFFFFFEF7, lr;
	s5 =	simm.s32 $0xFFFFFFFF;
	p2 =	slt.u32 s8, $0xFFFFF086  }
0x1c: {  	p1 =	slt.u32 s9, $0xF7A;
	s5 =	simm.s32 @!p2 $0x0  }
0x1d: {  	s5 =	simm.s32 @p1 $0x1;
	p0 =	seq.s32 s7, s2  }
0x1e: {  	s7 =	smul.u32 @!p0 $0xF7A, s2;
	p2 =	seq.s32 @!p0 s5, $0x0  }
0x1f: {  	s9 =	smul.u32 $0xF7A, s1;
	s8 =	simm.s32 @!p0 $0x1BF5;
	p2 =	por !p2, p0  }
0x20: {  	[sflag:s8] =	ssyncset.s32 @!p0 $0xFFFFF086;
	s6 =	sadd.s32 @!p0 s3, s7;
	s7 =	simm.s32 @!p0 $0x108  }
0x21: {  	s3 =	sadd.s32 s3, s9;
	s6 =	sadd.s32 @!p0 $0x88, s6;
	s7 =	simm.s32 @p2 $0x1082  }
0x22: {  	[simem:s7], [sflag:s8] =	dma.local @!p0 [hbm:s6], $0xF7A  }
0x23: {  	s9 =	sor.u32 $0xD0000000, s2;
	s6 =	simm.s32 $0x108;
	_ =	swait.ge @!p0 [sflag:s8], $0x0  }
0x24: {  	s3 =	sadd.s32 $0x88, s3;
	s6 =	simm.s32 @!p1 $0x1082;
	[sflag:s4] =	ssyncset.s32 $0xFFFFF086  }
0x25: {  	[simem:s6], [sflag:s4] =	dma.local [hbm:s3], $0xF7A  }
0x26: {  	[smem:$0x3F9D] =	sst s1;
	(tag) =	ssettag s2;
	_ =	strace s9  }
0x27: {  	s1 =	sld [smem:$0x3FAD]  }
0x28: {  	s2 =	sld [smem:$0x3FAE]  }
0x29: {  	s4 =	sld [smem:$0x3FB0]  }
0x2a: {  	p0 =	seq.s32 s5, $0x0;
	s5 =	sld [smem:$0x3FB1]  }
0x2b: {  	s6 =	sld [smem:$0x3FB2]  }
0x2c: {  	s7 =	sld [smem:$0x3FB3]  }
0x2d: {  	s3 =	simm.s32 $0x108;
	s8 =	sld [smem:$0x3FB4]  }
0x2e: {  	s3 =	simm.s32 @!p0 $0x1082;
	s9 =	sld [smem:$0x3FB5]  }
0x2f: {  	lr =	sadd.s32 s0, s3;
	s0 =	sld [smem:$0x3FAC]  }
0x30: {  	s3 =	sld [smem:$0x3FAF]  }
0x31: {  	[smem:$0x3FB8] =	sst s10  }
0x32: {  	s10 =	sld [smem:$0x3FB6];
	_ =	sdelay $0x3  }
0x33: {  	p0 =	seq.s32 s10, $0x1;
	s10 =	sld [smem:$0x3FB8];
	_ =	sdelay $0x3  }
0x34: {  	[smem:$0x3FB8] =	sst s10  }
0x35: {  	s10 =	sld [smem:$0x3FB7];
	_ =	sdelay $0x3  }
0x36: {  	p1 =	seq.s32 s10, $0x1;
	s10 =	sld [smem:$0x3FB8];
	_ =	sdelay $0x3  }
0x37: {  	[smem:$0x3FB8] =	sst s10  }
0x38: {  	s10 =	sld [smem:$0x3FB9]  }
0x39: {  	_ = 	snop;
	(pc) =	sbr.ind lr, $3  }
0x3a: {  	_ = 	snop  }
0x3b: {  	_ = 	snop  }
0x3c: {  	p2 =	seq.s32 s10, $0x1;
	s10 =	sld [smem:$0x3FB8]  }
0x3d: {  	_ =	shalt  }
0x3e: {  	_ =	shalt  }
0x3f: {  	_ =	shalt  }
0x40: {  	_ =	shalt  }
0x41: {  	_ =	shalt  }
0x42: {  	_ =	shalt  }
0x43: {  	_ =	shalt  }
0x44: {  	_ =	shalt  }
0x45: {  	_ =	shalt  }
0x46: {  	_ =	shalt  }
0x47: {  	_ =	shalt  }
0x48: {  	_ =	shalt  }
0x49: {  	_ =	shalt  }
0x4a: {  	_ =	shalt  }
0x4b: {  	_ =	shalt  }
0x4c: {  	_ =	shalt  }
0x4d: {  	_ =	shalt  }
0x4e: {  	_ =	shalt  }
0x4f: {  	_ =	shalt  }
0x50: {  	_ =	shalt  }
0x51: {  	_ =	shalt  }
0x52: {  	_ =	shalt  }
0x53: {  	_ =	shalt  }
0x54: {  	_ =	shalt  }
0x55: {  	_ =	shalt  }
0x56: {  	_ =	shalt  }
0x57: {  	_ =	shalt  }
0x58: {  	_ =	shalt  }
0x59: {  	_ =	shalt  }
0x5a: {  	_ =	shalt  }
0x5b: {  	_ =	shalt  }
0x5c: {  	_ =	shalt  }
0x5d: {  	_ =	shalt  }
0x5e: {  	_ =	shalt  }
0x5f: {  	_ =	shalt  }
0x60: {  	_ =	shalt  }
0x61: {  	_ =	shalt  }
0x62: {  	_ =	shalt  }
0x63: {  	_ =	shalt  }
0x64: {  	_ =	shalt  }
0x65: {  	_ =	shalt  }
0x66: {  	_ =	shalt  }
0x67: {  	_ =	shalt  }
0x68: {  	_ =	shalt  }
0x69: {  	_ =	shalt  }
0x6a: {  	_ =	shalt  }
0x6b: {  	_ =	shalt  }
0x6c: {  	_ =	shalt  }
0x6d: {  	_ =	shalt  }
0x6e: {  	_ =	shalt  }
0x6f: {  	_ =	shalt  }
0x70: {  	_ =	shalt  }
0x71: {  	_ =	shalt  }
0x72: {  	_ =	shalt  }
0x73: {  	_ =	shalt  }
0x74: {  	_ =	shalt  }
0x75: {  	_ =	shalt  }
0x76: {  	_ =	shalt  }
0x77: {  	_ =	shalt  }
0x78: {  	_ =	shalt  }
0x79: {  	_ =	shalt  }
0x7a: {  	_ =	shalt  }
0x7b: {  	_ =	shalt  }
0x7c: {  	_ =	shalt  }
0x7d: {  	_ =	shalt  }
0x7e: {  	_ =	shalt  }
0x7f: {  	_ =	shalt  }
0x80: {  	_ =	shalt  }
0x81: {  	_ =	shalt  }
0x82: {  	_ =	shalt  }
0x83: {  	_ =	shalt  }
0x84: {  	_ =	shalt  }
0x85: {  	_ =	shalt  }
0x86: {  	_ =	shalt  }
0x87: {  	_ =	shalt  }
.Lfunc_end0:
.L_simem_size_0:
called_computation_lowered:
.L_overlay_start_0:
0x88: {  	s2 =	sld [smem:$0x3FD9]  }
0x89: {  	s3 =	sld [smem:$0x3FFE];
	_ =	sdelay $0x1  }
0x8a: {  	s1 =	srdreg.scid  }
0x8b: {  	s0 =	sand.u32 $0x1, s1  }
0x8c: {  	s18 =	sshll.u32 s0, $0xA;
	s2 =	sadd.s32 s3, s2  }
0x8d: {  	s2 =	sadd.s32 s2, s18  }
0x8e: {  	[smem:$0x3FC4] =	sst s2  }
0x8f: {  	_ = 	snop  }
0x90: {  	s2 =	sld [smem:$0x3FC8]  }
0x91: {  	s19 =	sld [smem:$0x3FD0];
	(tm) =	ssettm $0x1  }
0x92: {  	s4 =	sld [smem:$0x3FFB];
	_ =	sdelay $0x3  }
0x93: {  	_ =	strace s4  }
0x94: {  	s4 =	sld [smem:$0x3FFC];
	_ =	sdelay $0x3  }
0x95: {  	_ =	strace s4  }
0x96: {  	s4 =	sld [smem:$0x3FFD];
	_ =	sdelay $0x3  }
0x97: {  	_ =	strace s4  }
0x98: {  	_ =	strace $0x8FFFFFFF  }
0x99: {  	s20 =	sld [smem:$0x3FDB];
	_ =	sdelay $0x1  }
0x9a: {  	s5 =	simm.s32 $_scs_section_size  }
0x9b: {  	s6 =	simm.s32 $_size__tile_overlayer_lowered;
	s7 =	simm.s32 $_tile_overlayer_lowered  }
0x9c: {  	s23 =	simm.s32 $0x1BFF;
	s22 =	sshll.u32 s7, $0x1;
	s4 =	sadd.s32 s5, s20  }
0x9d: {  	s8 =	simm.s32 $0x0;
	s21 =	sshll.u32 s6, $0x1;
	s6 =	sadd.s32 s22, s4  }
0x9e: {  	[timem:s8], [sflag:s23] =	dma.local [hbm:s6], s21  }
0x9f: {  	_ =	swait.ge [sflag:s23], s21  }
0xa0: {  	s5 =	ssub.s32 $0x0, s21;
	[sflag:s23] =	ssyncset.done $0x0  }
0xa1: {  	[sflag:s23] =	ssyncadd.s32 s5;
	_ =	sdelay $0x1  }
0xa2: {  	s24 =	simm.s32 $0x1B8B  }
0xa3: {  	_ =	swait.ge [sflag:s24], $0x1  }
0xa4: {  	[sflag:s24] =	ssyncset.done $0x0  }
0xa5: {  	s25 =	simm.s32 $0x1B8E;
	[sflag:s24] =	ssyncadd.s32 $0xFFFFFFFF  }
0xa6: {  	s26 =	simm.s32 $execute0_lowered;
	[smem:$0x3FD2] =	sst s25  }
0xa7: {  	s5 =	sshll.u32 s26, $0x1;
	_ =	strace $0x80000046;
	[dreg:$0x1] =	wrdreg $0xFFFFFFFF  }
0xa8: {  	s28 =	simm.s32 $_size_execute0_lowered;
	s4 =	sadd.s32 s4, s5;
	[dreg:$0x0] =	wrdreg $0x0  }
0xa9: {  	s5 =	sshll.u32 s28, $0x1;
	[dreg:$0x2] =	wrdreg s4  }
0xaa: {  	[dreg:$0x3] =	wrdreg s5  }
0xab: {  	[dreg:$0x4] =	wrdreg $0xC0  }
0xac: {  	_ =	task [dreg:s8], $0x5FFFF  }
0xad: {  	[dreg:$0x1] =	wrdreg $0xFFFFFFFF  }
0xae: {  	[dreg:$0x0] =	wrdreg $0x60  }
0xaf: {  	[dreg:$0x2] =	wrdreg s2  }
0xb0: {  	[dreg:$0x3] =	wrdreg s19  }
0xb1: {  	[dreg:$0x4] =	wrdreg $0x9  }
0xb2: {  	_ =	task.clear_ibuf [dreg:s8], $0x5FFFF;
	_ =	strace $0x90000046  }
0xb3: {  	s29 =	simm.s32 $0x9;
	_ =	strace $0x80000048  }
0xb4: {  	_ =	swait.ge [sflag:s29], $0x1  }
0xb5: {  	[sflag:s29] =	ssyncadd.s32 $0xFFFFFFFF  }
0xb6: {  	_ =	strace $0x90000048  }
0xb7: {  	_ =	sfence  }
0xb8: {  	s30 =	sld [smem:$0x0];
	_ =	sdelay $0x2  }
0xb9: {  	s31 =	sshll.u32 s1, $0xD;
	s1 =	sshrl.u32 s1, $0x2  }
0xba: {  	s3 =	sand.u32 $0x4000, s31;
	s1 =	sadd.s32 s1, s30  }
0xbb: {  	s0 =	sor.u32 s3, s0;
	s1 =	sshll.u32 s1, $0x11  }
0xbc: {  	s0 =	sor.u32 s1, s0  }
0xbd: {  	s0 =	sadd.s32 $0x8F2B, s0  }
0xbe: {  	[sflag:s0] =	ssyncadd.remote.s32 $0x1  }
0xbf: {  	_ =	sfence.sel $0xFFFF  }
0xc0: {  	[dreg:$0x0] =	wrdreg $0xFFFFFFFF;
	(pc) =	sbr.abs _section_cstart, $3  }
0xc1: {  	[dreg:$0x1] =	wrdreg $0xFFFFFFFF  }
0xc2: {  	_ =	task.clear_ibuf [dreg:s8], $0x2FFFF;
	_ =	strace $0x9FFFFFFF  }
0xc3: {  	(tm) =	ssettm $0x7FFFFFFF  }
tec
execute0_lowered:
.L_overlay_start_1:
0x0: {  	(tag) =	ssettag $0x1  }
0x1: {  	s4 =	rddreg [dreg:$0x0];
	s1 =	srdreg.scid  }
0x2: {  	s0 =	stileid.u32;
	s6 =	rddreg [dreg:$0x1];
	s10 =	simm.s32 $0x3  }
0x3: {  	s11 =	simm.s32 $0x0;
	s3 =	sand.u32 $0x1, s1;
	s2 =	sshll.u32 s0, $0x1  }
0x4: {  	s1 =	rddreg [dreg:$0x2];
	p0 =	slt.u32 s0, $0x2;
	s5 =	sor.u32 s3, s2  }
0x5: {  	s2 =	simm.s32 $0x0;
	s3 =	ssub.s32 $0x2, s3;
	s7 =	smul.u32 $0x2700, s5  }
0x6: {  	s8 =	smin.u32 s5, $0x4;
	[smem:$0x7FF] =	sst s2;
	s9 =	sshrl.u32 s3, $0x1  }
0x7: {  	s31 =	smul.u32 $0x4E2, s5;
	s8 =	sshll.u32 s8, $0x7;
	_ =	strace $0x80000047  }
0x8: {  	s30 =	ssub.s32 s3, s9;
	s3 =	simm.s32 $0x4F;
	s7 =	sadd.s32 s7, s8  }
0x9: {  	s9 =	simm.s32 $0x4F00;
	s3 =	simm.s32 @!p0 $0x4E;
	s7 =	sshrl.u32 s7, $0x2  }
0xa: {  	s6 =	sadd.s32 s6, s31;
	p0 =	sgt.u32 s0, $0x1;
	s4 =	sadd.s32 s4, s7  }
0xb: {  	v0 =	vimm.f32 $0.0e+00;
	v1 =	vimm.f32 $1.000000000e+00;
	s8 =	simm.s32 $0x1;
	s7 =	smax.u32 s30, $0x1;
	s5 =	sadd.s32 $0x9C0, s4  }
.LBB2_1:
0xc: {  	[tilespmem:s2], [sflag:$0x1] =	stream.linear.gather [hbm4b:s4+s2], $0x4E00, $0x38;
	[tilespmem:$0x7680] =	vst v63  }
0xd: {  	s12 =	simm.s32 @!p0 $0x0;
	s13 =	simm.s32 @!p0 $0x4E00  }
0xe: {  	[tilespmem:s13], [sflag:$0x2] =	stream.linear.gather @!p0 [hbm4b:s5+s12], $0x100, $0x38;
	[tilespmem:$0x7680] =	vst v63  }
0xf: {  	s12 =	simm.s32 @!p0 $0x2  }
0x10: {  	_ =	swait.ge @!p0 [sflag:s12], $0x100  }
0x11: {  	[sflag:s12] =	ssyncset.done @!p0 $0x0  }
0x12: {  	s13 =	simm.s32 $0x0;
	[sflag:s12] =	ssyncadd.s32 @!p0 $0xFFFFFF00;
	s12 =	simm.s32 $0x40  }
.LBB2_2:
0x13: {  	p1 =	sne.s32 s12, $0x9C00;
	[tilespmem:s13+$0x4F00] =	vst v0;
	s13 =	smov.u32 s12;
	s12 =	sadd.s32 $0x40, s12  }
.Ltmp0:
0x14: {  	(pc) =	sbr.rel @p1 .LBB2_2-.Ltmp0, $2  }
0x15: {  	_ =	sdelay $0x2  }
0x16: {  	s13 =	sshra.s32 s13, $0x2  }
0x17: {  	[tilespmem:s13+$0x4F00] =	vst v0  }
0x18: {  	_ =	swait.ge [sflag:s8], $0x4E00  }
0x19: {  	[sflag:s8] =	ssyncset.done $0x0  }
0x1a: {  	s12 =	simm.s32 $0xF0;
	s13 =	smov.u32 s3;
	[sflag:s8] =	ssyncadd.s32 $0xFFFFB200  }
.LBB2_4:
0x1b: {  	v2 =	vld [tilespmem:s12+$0xFFFFFF90];
	_ =	sdelay $0x7  }
0x1c: {  	[tilespmem:v2+s9+$0x0] =	vst.idx.add.f32.msk $0xffff, v1  }
0x1d: {  	v2 =	vld [tilespmem:s12+$0xFFFFFFA0];
	_ =	sdelay $0x7  }
0x1e: {  	[tilespmem:v2+s9+$0x0] =	vst.idx.add.f32.msk $0xffff, v1  }
0x1f: {  	v2 =	vld [tilespmem:s12+$0xFFFFFFB0];
	_ =	sdelay $0x7  }
0x20: {  	[tilespmem:v2+s9+$0x0] =	vst.idx.add.f32.msk $0xffff, v1  }
0x21: {  	v2 =	vld [tilespmem:s12+$0xFFFFFFC0];
	_ =	sdelay $0x7  }
0x22: {  	[tilespmem:v2+s9+$0x0] =	vst.idx.add.f32.msk $0xffff, v1  }
0x23: {  	v2 =	vld [tilespmem:s12+$0xFFFFFFD0];
	_ =	sdelay $0x7  }
0x24: {  	[tilespmem:v2+s9+$0x0] =	vst.idx.add.f32.msk $0xffff, v1  }
0x25: {  	v2 =	vld [tilespmem:s12+$0xFFFFFFE0];
	_ =	sdelay $0x7  }
0x26: {  	[tilespmem:v2+s9+$0x0] =	vst.idx.add.f32.msk $0xffff, v1  }
0x27: {  	v2 =	vld [tilespmem:s12+$0xFFFFFFF0];
	_ =	sdelay $0x7  }
0x28: {  	[tilespmem:v2+s9+$0x0] =	vst.idx.add.f32.msk $0xffff, v1  }
0x29: {  	v2 =	vld [tilespmem:s12+$0x0];
	_ =	sdelay $0x2  }
0x2a: {  	p1 =	sne.s32 s13, $0x1  }
.Ltmp1:
0x2b: {  	_ = 	snop;
	(pc) =	sbr.rel @p1 .LBB2_4-.Ltmp1, $2  }
0x2c: {  	_ =	sdelay $0x2  }
0x2d: {  	s13 =	sadd.s32 $0xFFFFFFFF, s13;
	s12 =	sadd.s32 $0x100, s12;
	[tilespmem:v2+s9+$0x0] =	vst.idx.add.f32.msk $0xffff, v1  }
0x2e: {  	s11 =	sadd.s32 $0x1, s11  }
0x2f: {  	p1 =	sne.s32 s11, s7  }
.Ltmp2:
0x30: {  	_ = 	snop;
	(pc) =	sbr.rel @p1 .LBB2_1-.Ltmp2, $4  }
0x31: {  	[hbm4b:s6+s2] =	stream.linear.scatter [tilespmem:s9], [sflag:$0x3], $0x2710, $0x38;
	[tilespmem:$0x7680] =	vst v63  }
0x32: {  	_ =	swait.ge [sflag:s10], $0x2710  }
0x33: {  	[sflag:s10] =	ssyncset.done $0x0  }
0x34: {  	[sflag:s10] =	ssyncadd.s32 $0xFFFFD8F0  }
0x35: {  	_ =	sfence.sel $0x180000  }
0x36: {  	[bflag:$0x0] =	sbarrier.arrive $0xFFFF  }
0x37: {  	p0 =	sne.s32 s0, $0x0;
	_ =	strace $0x90000047  }
0x38: {  	s0 =	sadd.s32 @!p0 $0x100000, s1;
	[bflag:$0x2] =	sbarrier.arrive $0xFFFF  }
0x39: {  	[sflag:s0] =	ssyncadd.tile.s32 @!p0 $0x1;
	_ =	shalt  }
.Lfunc_end2:
_tile_overlayer_lowered:
.L_overlay_start_2:
0x3a: {  	(tag) =	ssettag $0x2  }
0x3b: {  	s0 =	rddreg [dreg:$0x0];
	s2 =	stileid.u32  }
0x3c: {  	s1 =	rddreg [dreg:$0x1];
	p0 =	sne.s32 s2, $0x0  }
0x3d: {  	s3 =	rddreg [dreg:$0x2];
	[bflag:$0x3] =	sbarrier.arrive $0xFFFF;
	s2 =	simm.s32 @!p0 $0x1C03  }
0x3e: {  	[timem:s3], [sflag:s2] =	dma.local @!p0 [hbm:s0], s1  }
0x3f: {  	s0 =	simm.s32 @!p0 $0x3  }
0x40: {  	_ =	swait.ge @!p0 [sflag:s0], s1  }
0x41: {  	s1 =	ssub.s32 @!p0 $0x0, s1;
	[sflag:s0] =	ssyncset.done @!p0 $0x0  }
0x42: {  	[sflag:s0] =	ssyncadd.s32 @!p0 s1  }
0x43: {  	[bflag:$0x3] =	sbarrier.arrive $0xFFFF  }
0x44: {  	_ =	shalt  }

// kernel: kernel.9.cloned.1.call-start
scs
__scs_entry_jumppad:
0x0: {  	(pc) =	sbr.rel $0x88, $3  }
0x1: {  	(tag) =	ssettag $0x0;
	lr =	simm.s32 $0x1  }
0x2: {  	[smem:$0x3F9D] =	sst lr;
	_ =	strace $0xD0000000  }
0x3: {  	_ = 	snop  }
0x4: {  	_ = 	snop  }
0x5: {  	_ = 	snop  }
0x6: {  	_ = 	snop  }
0x7: {  	_ = 	snop  }
__scs_overlays_trampoline_lowered:
0x8: {  	[smem:$0x3FAC] =	sst s0  }
0x9: {  	[smem:$0x3FAD] =	sst s1  }
0xa: {  	[smem:$0x3FAE] =	sst s2  }
0xb: {  	[smem:$0x3FAF] =	sst s3  }
0xc: {  	[smem:$0x3FB0] =	sst s4  }
0xd: {  	[smem:$0x3FB1] =	sst s5  }
0xe: {  	[smem:$0x3FB2] =	sst s6  }
0xf: {  	[smem:$0x3FB3] =	sst s7  }
0x10: {  	[smem:$0x3FB4] =	sst s8  }
0x11: {  	[smem:$0x3FB5] =	sst s9;
	s0 =	simm.s32 @!p0 $0x0  }
0x12: {  	s1 =	sld [smem:$0x3F9B];
	s0 =	simm.s32 @p0 $0x1  }
0x13: {  	[smem:$0x3FB6] =	sst s0;
	s0 =	simm.s32 @!p1 $0x0  }
0x14: {  	s2 =	sld [smem:$0x3F9A];
	s0 =	simm.s32 @p1 $0x1  }
0x15: {  	[smem:$0x3FB7] =	sst s0;
	s0 =	simm.s32 @!p2 $0x0  }
0x16: {  	s3 =	sld [smem:$0x3FDB];
	s0 =	simm.s32 @p2 $0x1  }
0x17: {  	s4 =	simm.s32 $0x1BF5;
	[smem:$0x3FB9] =	sst s0  }
0x18: {  	s0 =	sld [smem:$0x3F9C];
	_ =	swait.ge [sflag:s4], $0x0  }
0x19: {  	s7 =	sld [smem:$0x3F9D]  }
0x1a: {  	s8 =	sadd.s32 $0xFFFFE003, lr  }
0x1b: {  	s9 =	sadd.s32 $0xFFFFFEF7, lr;
	s5 =	simm.s32 $0xFFFFFFFF;
	p2 =	slt.u32 s8, $0xFFFFF086  }
0x1c: {  	p1 =	slt.u32 s9, $0xF7A;
	s5 =	simm.s32 @!p2 $0x0  }
0x1d: {  	s5 =	simm.s32 @p1 $0x1;
	p0 =	seq.s32 s7, s2  }
0x1e: {  	s7 =	smul.u32 @!p0 $0xF7A, s2;
	p2 =	seq.s32 @!p0 s5, $0x0  }
0x1f: {  	s9 =	smul.u32 $0xF7A, s1;
	s8 =	simm.s32 @!p0 $0x1BF5;
	p2 =	por !p2, p0  }
0x20: {  	[sflag:s8] =	ssyncset.s32 @!p0 $0xFFFFF086;
	s6 =	sadd.s32 @!p0 s3, s7;
	s7 =	simm.s32 @!p0 $0x108  }
0x21: {  	s3 =	sadd.s32 s3, s9;
	s6 =	sadd.s32 @!p0 $0x88, s6;
	s7 =	simm.s32 @p2 $0x1082  }
0x22: {  	[simem:s7], [sflag:s8] =	dma.local @!p0 [hbm:s6], $0xF7A  }
0x23: {  	s9 =	sor.u32 $0xD0000000, s2;
	s6 =	simm.s32 $0x108;
	_ =	swait.ge @!p0 [sflag:s8], $0x0  }
0x24: {  	s3 =	sadd.s32 $0x88, s3;
	s6 =	simm.s32 @!p1 $0x1082;
	[sflag:s4] =	ssyncset.s32 $0xFFFFF086  }
0x25: {  	[simem:s6], [sflag:s4] =	dma.local [hbm:s3], $0xF7A  }
0x26: {  	[smem:$0x3F9D] =	sst s1;
	(tag) =	ssettag s2;
	_ =	strace s9  }
0x27: {  	s1 =	sld [smem:$0x3FAD]  }
0x28: {  	s2 =	sld [smem:$0x3FAE]  }
0x29: {  	s4 =	sld [smem:$0x3FB0]  }
0x2a: {  	p0 =	seq.s32 s5, $0x0;
	s5 =	sld [smem:$0x3FB1]  }
0x2b: {  	s6 =	sld [smem:$0x3FB2]  }
0x2c: {  	s7 =	sld [smem:$0x3FB3]  }
0x2d: {  	s3 =	simm.s32 $0x108;
	s8 =	sld [smem:$0x3FB4]  }
0x2e: {  	s3 =	simm.s32 @!p0 $0x1082;
	s9 =	sld [smem:$0x3FB5]  }
0x2f: {  	lr =	sadd.s32 s0, s3;
	s0 =	sld [smem:$0x3FAC]  }
0x30: {  	s3 =	sld [smem:$0x3FAF]  }
0x31: {  	[smem:$0x3FB8] =	sst s10  }
0x32: {  	s10 =	sld [smem:$0x3FB6];
	_ =	sdelay $0x3  }
0x33: {  	p0 =	seq.s32 s10, $0x1;
	s10 =	sld [smem:$0x3FB8];
	_ =	sdelay $0x3  }
0x34: {  	[smem:$0x3FB8] =	sst s10  }
0x35: {  	s10 =	sld [smem:$0x3FB7];
	_ =	sdelay $0x3  }
0x36: {  	p1 =	seq.s32 s10, $0x1;
	s10 =	sld [smem:$0x3FB8];
	_ =	sdelay $0x3  }
0x37: {  	[smem:$0x3FB8] =	sst s10  }
0x38: {  	s10 =	sld [smem:$0x3FB9]  }
0x39: {  	_ = 	snop;
	(pc) =	sbr.ind lr, $3  }
0x3a: {  	_ = 	snop  }
0x3b: {  	_ = 	snop  }
0x3c: {  	p2 =	seq.s32 s10, $0x1;
	s10 =	sld [smem:$0x3FB8]  }
0x3d: {  	_ =	shalt  }
0x3e: {  	_ =	shalt  }
0x3f: {  	_ =	shalt  }
0x40: {  	_ =	shalt  }
0x41: {  	_ =	shalt  }
0x42: {  	_ =	shalt  }
0x43: {  	_ =	shalt  }
0x44: {  	_ =	shalt  }
0x45: {  	_ =	shalt  }
0x46: {  	_ =	shalt  }
0x47: {  	_ =	shalt  }
0x48: {  	_ =	shalt  }
0x49: {  	_ =	shalt  }
0x4a: {  	_ =	shalt  }
0x4b: {  	_ =	shalt  }
0x4c: {  	_ =	shalt  }
0x4d: {  	_ =	shalt  }
0x4e: {  	_ =	shalt  }
0x4f: {  	_ =	shalt  }
0x50: {  	_ =	shalt  }
0x51: {  	_ =	shalt  }
0x52: {  	_ =	shalt  }
0x53: {  	_ =	shalt  }
0x54: {  	_ =	shalt  }
0x55: {  	_ =	shalt  }
0x56: {  	_ =	shalt  }
0x57: {  	_ =	shalt  }
0x58: {  	_ =	shalt  }
0x59: {  	_ =	shalt  }
0x5a: {  	_ =	shalt  }
0x5b: {  	_ =	shalt  }
0x5c: {  	_ =	shalt  }
0x5d: {  	_ =	shalt  }
0x5e: {  	_ =	shalt  }
0x5f: {  	_ =	shalt  }
0x60: {  	_ =	shalt  }
0x61: {  	_ =	shalt  }
0x62: {  	_ =	shalt  }
0x63: {  	_ =	shalt  }
0x64: {  	_ =	shalt  }
0x65: {  	_ =	shalt  }
0x66: {  	_ =	shalt  }
0x67: {  	_ =	shalt  }
0x68: {  	_ =	shalt  }
0x69: {  	_ =	shalt  }
0x6a: {  	_ =	shalt  }
0x6b: {  	_ =	shalt  }
0x6c: {  	_ =	shalt  }
0x6d: {  	_ =	shalt  }
0x6e: {  	_ =	shalt  }
0x6f: {  	_ =	shalt  }
0x70: {  	_ =	shalt  }
0x71: {  	_ =	shalt  }
0x72: {  	_ =	shalt  }
0x73: {  	_ =	shalt  }
0x74: {  	_ =	shalt  }
0x75: {  	_ =	shalt  }
0x76: {  	_ =	shalt  }
0x77: {  	_ =	shalt  }
0x78: {  	_ =	shalt  }
0x79: {  	_ =	shalt  }
0x7a: {  	_ =	shalt  }
0x7b: {  	_ =	shalt  }
0x7c: {  	_ =	shalt  }
0x7d: {  	_ =	shalt  }
0x7e: {  	_ =	shalt  }
0x7f: {  	_ =	shalt  }
0x80: {  	_ =	shalt  }
0x81: {  	_ =	shalt  }
0x82: {  	_ =	shalt  }
0x83: {  	_ =	shalt  }
0x84: {  	_ =	shalt  }
0x85: {  	_ =	shalt  }
0x86: {  	_ =	shalt  }
0x87: {  	_ =	shalt  }
.Lfunc_end0:
.L_simem_size_0:
called_computation.1_lowered:
.L_overlay_start_0:
0x88: {  	s2 =	sld [smem:$0x3FD9]  }
0x89: {  	s3 =	sld [smem:$0x3FFE];
	_ =	sdelay $0x1  }
0x8a: {  	s1 =	srdreg.scid  }
0x8b: {  	s0 =	sand.u32 $0x1, s1  }
0x8c: {  	s17 =	sshll.u32 s0, $0xA;
	s2 =	sadd.s32 s3, s2  }
0x8d: {  	s2 =	sadd.s32 s2, s17  }
0x8e: {  	[smem:$0x3FC4] =	sst s2  }
0x8f: {  	_ = 	snop  }
0x90: {  	s2 =	sld [smem:$0x3FC8]  }
0x91: {  	s18 =	sld [smem:$0x3FD0];
	(tm) =	ssettm $0x1  }
0x92: {  	s4 =	sld [smem:$0x3FFB];
	_ =	sdelay $0x3  }
0x93: {  	_ =	strace s4  }
0x94: {  	s4 =	sld [smem:$0x3FFC];
	_ =	sdelay $0x3  }
0x95: {  	_ =	strace s4  }
0x96: {  	s4 =	sld [smem:$0x3FFD];
	_ =	sdelay $0x3  }
0x97: {  	_ =	strace s4  }
0x98: {  	_ =	strace $0x8FFFFFFF  }
0x99: {  	s19 =	sld [smem:$0x3FDB];
	_ =	sdelay $0x1  }
0x9a: {  	s5 =	simm.s32 $_scs_section_size  }
0x9b: {  	s6 =	simm.s32 $_size__tile_overlayer_lowered;
	s7 =	simm.s32 $_tile_overlayer_lowered  }
0x9c: {  	s22 =	simm.s32 $0x1BFF;
	s21 =	sshll.u32 s7, $0x1;
	s4 =	sadd.s32 s5, s19  }
0x9d: {  	s8 =	simm.s32 $0x0;
	s20 =	sshll.u32 s6, $0x1;
	s6 =	sadd.s32 s21, s4  }
0x9e: {  	[timem:s8], [sflag:s22] =	dma.local [hbm:s6], s20  }
0x9f: {  	_ =	swait.ge [sflag:s22], s20  }
0xa0: {  	s5 =	ssub.s32 $0x0, s20;
	[sflag:s22] =	ssyncset.done $0x0  }
0xa1: {  	[sflag:s22] =	ssyncadd.s32 s5;
	_ =	sdelay $0x1  }
0xa2: {  	s23 =	simm.s32 $0x1B8B  }
0xa3: {  	_ =	swait.ge [sflag:s23], $0x1  }
0xa4: {  	[sflag:s23] =	ssyncset.done $0x0  }
0xa5: {  	s25 =	simm.s32 $0x1B8E;
	s24 =	sld [smem:$0x3FFE];
	[sflag:s23] =	ssyncadd.s32 $0xFFFFFFFF  }
0xa6: {  	s26 =	simm.s32 $execute0_lowered;
	[smem:$0x3FD2] =	sst s25  }
0xa7: {  	s6 =	sshll.u32 s26, $0x1;
	_ =	strace $0x80000049;
	[dreg:$0x1] =	wrdreg $0xFFFFFFFF  }
0xa8: {  	s28 =	simm.s32 $_size_execute0_lowered;
	s4 =	sadd.s32 s4, s6;
	[dreg:$0x0] =	wrdreg $0x0  }
0xa9: {  	s6 =	sshll.u32 s28, $0x1;
	[dreg:$0x2] =	wrdreg s4  }
0xaa: {  	[dreg:$0x3] =	wrdreg s6  }
0xab: {  	[dreg:$0x4] =	wrdreg $0xC0  }
0xac: {  	_ =	task [dreg:s8], $0x5FFFF  }
0xad: {  	[dreg:$0x1] =	wrdreg $0xFFFFFFFF  }
0xae: {  	[dreg:$0x0] =	wrdreg $0x60  }
0xaf: {  	[dreg:$0x2] =	wrdreg s18  }
0xb0: {  	[dreg:$0x3] =	wrdreg s2  }
0xb1: {  	[dreg:$0x4] =	wrdreg s24  }
0xb2: {  	[dreg:$0x5] =	wrdreg $0xAB800  }
0xb3: {  	[dreg:$0x6] =	wrdreg $0x9  }
0xb4: {  	_ =	task.clear_ibuf [dreg:s8], $0x7FFFF;
	_ =	strace $0x90000049  }
0xb5: {  	s29 =	simm.s32 $0x9;
	_ =	strace $0x8000004B  }
0xb6: {  	_ =	swait.ge [sflag:s29], $0x1  }
0xb7: {  	[sflag:s29] =	ssyncadd.s32 $0xFFFFFFFF  }
0xb8: {  	_ =	strace $0x9000004B  }
0xb9: {  	_ =	sfence  }
0xba: {  	s30 =	sld [smem:$0x0];
	_ =	sdelay $0x2  }
0xbb: {  	s31 =	sshll.u32 s1, $0xD;
	s1 =	sshrl.u32 s1, $0x2  }
0xbc: {  	s3 =	sand.u32 $0x4000, s31;
	s1 =	sadd.s32 s1, s30  }
0xbd: {  	s0 =	sor.u32 s3, s0;
	s1 =	sshll.u32 s1, $0x11  }
0xbe: {  	s0 =	sor.u32 s1, s0  }
0xbf: {  	s0 =	sadd.s32 $0x8F2B, s0  }
0xc0: {  	[sflag:s0] =	ssyncadd.remote.s32 $0x1  }
0xc1: {  	_ =	sfence.sel $0xFFFF  }
0xc2: {  	[dreg:$0x0] =	wrdreg $0xFFFFFFFF;
	(pc) =	sbr.abs _section_cstart, $3  }
0xc3: {  	[dreg:$0x1] =	wrdreg $0xFFFFFFFF  }
0xc4: {  	_ =	task.clear_ibuf [dreg:s8], $0x2FFFF;
	_ =	strace $0x9FFFFFFF  }
0xc5: {  	(tm) =	ssettm $0x7FFFFFFF  }
tec
execute0_lowered:
.L_overlay_start_1:
0x0: {  	(tag) =	ssettag $0x1  }
0x1: {  	s1 =	rddreg [dreg:$0x0]  }
0x2: {  	s0 =	rddreg [dreg:$0x1]  }
0x3: {  	s4 =	rddreg [dreg:$0x2]  }
0x4: {  	s2 =	rddreg [dreg:$0x3]  }
0x5: {  	s3 =	simm.s32 $0x0;
	s5 =	srdreg.scid;
	s13 =	stileid.u32  }
0x6: {  	s31 =	simm.s32 $0x2B80;
	s28 =	simm.s32 $0x5;
	s29 =	simm.s32 $0x6  }
0x7: {  	[smem:$0x7FF] =	sst s3;
	s6 =	sand.u32 $0x1, s5;
	s14 =	sshll.u32 s13, $0x1  }
0x8: {  	s4 =	sadd.s32 $0x1A00, s4;
	s15 =	smul.u32 $0x4E000, s13;
	p0 =	slt.u32 s13, $0x2  }
0x9: {  	s18 =	smul.u32 $0x2700, s13;
	s20 =	sadd.s32 $0x138000, s2;
	s22 =	sadd.s32 $0x27000, s1  }
0xa: {  	s26 =	smul.u32 $0x4E00, s13;
	_ =	strace $0x8000004A;
	s5 =	sor.u32 s6, s14  }
0xb: {  	s7 =	ssub.s32 $0x2, s6;
	[dreg:$0xd] =	wrdreg s20;
	s21 =	smul.u32 $0x138800, s6  }
0xc: {  	[dreg:$0xf] =	wrdreg s22;
	s12 =	smul.u32 $0x2700, s6;
	s20 =	simm.s32 $0x2A80  }
0xd: {  	s22 =	simm.s32 $0x2B00;
	s8 =	smul.u32 $0x2700, s5;
	s5 =	smin.u32 s5, $0x4  }
0xe: {  	s9 =	sshrl.u32 s7, $0x1;
	s16 =	sshrl.u32 s15, $0x2;
	[dreg:$0x7] =	wrdreg s20  }
0xf: {  	[dreg:$0x8] =	wrdreg s22;
	s10 =	sshll.u32 s5, $0x7;
	s7 =	ssub.s32 s7, s9  }
0x10: {  	s5 =	simm.s32 $0x9E;
	s15 =	sadd.s32 s16, s2;
	s9 =	sshrl.u32 s21, $0x3  }
0x11: {  	s16 =	sadd.s32 s12, s26;
	s19 =	sadd.s32 $0x12000, s15;
	[dreg:$0xb] =	wrdreg s15  }
0x12: {  	s8 =	sadd.s32 s8, s10;
	s7 =	smax.u32 s7, $0x1;
	[dreg:$0xc] =	wrdreg s19  }
0x13: {  	s9 =	sadd.s32 s4, s9;
	s26 =	sadd.s32 $0xE000, s15;
	[dreg:$0x15] =	wrdreg s7  }
0x14: {  	s5 =	simm.s32 @!p0 $0x9C;
	s30 =	sadd.s32 $0x27000, s9;
	[dreg:$0x1e] =	wrdreg s26  }
0x15: {  	p0 =	sne.s32 s6, $0x0;
	s9 =	sadd.s32 $0x4000, s15;
	[dreg:$0x14] =	wrdreg s30  }
0x16: {  	s8 =	sshrl.u32 s8, $0x2;
	s19 =	simm.s32 $0x2A00;
	[dreg:$0x17] =	wrdreg s9  }
0x17: {  	s14 =	sadd.s32 s0, s8;
	s8 =	sadd.s32 s1, s18;
	[dreg:$0x6] =	wrdreg s19  }
0x18: {  	s6 =	simm.s32 @!p0 $0x0;
	s18 =	simm.s32 $0x2980;
	[dreg:$0xe] =	wrdreg s8  }
0x19: {  	s23 =	smul.u32 $0x13800, s13;
	s6 =	simm.s32 @p0 $0x1;
	[dreg:$0x5] =	wrdreg s18  }
0x1a: {  	p2 =	sgt.u32 s13, $0x1;
	s30 =	sadd.s32 $0x10000, s15;
	[smem:$0x7FD] =	sst s6  }
0x1b: {  	p3 =	seq.s32 s13, $0x0;
	s22 =	simm.s32 $0x4B80;
	[dreg:$0x1f] =	wrdreg s30  }
0x1c: {  	s12 =	simm.s32 $0x80;
	s17 =	sadd.s32 $0x9C0, s14;
	[dreg:$0x9] =	wrdreg s14  }
0x1d: {  	s26 =	simm.s32 $0x8B80;
	s11 =	sadd.s32 $0x20, s14;
	[dreg:$0xa] =	wrdreg s17  }
0x1e: {  	s7 =	simm.s32 $0x8;
	s24 =	sadd.s32 $0x40, s14;
	[dreg:$0x10] =	wrdreg s11  }
0x1f: {  	p0 =	sne.s32 s13, $0x0;
	s25 =	sadd.s32 $0x60, s14;
	[dreg:$0x11] =	wrdreg s24  }
0x20: {  	s8 =	sadd.s32 s23, s21;
	s21 =	sadd.s32 $0x8000, s15;
	[dreg:$0x12] =	wrdreg s25  }
0x21: {  	s23 =	sadd.s32 $0xA000, s15;
	s8 =	sshrl.u32 s8, $0x3;
	[dreg:$0x19] =	wrdreg s21  }
0x22: {  	s17 =	sadd.s32 $0x6000, s15;
	[dreg:$0x1a] =	wrdreg s23;
	s4 =	sadd.s32 s4, s8  }
0x23: {  	s25 =	sadd.s32 $0xC000, s15;
	[dreg:$0x13] =	wrdreg s4;
	s4 =	sadd.s32 s10, s16  }
0x24: {  	s21 =	simm.s32 $0x40;
	[dreg:$0x18] =	wrdreg s17;
	s4 =	sshrl.u32 s4, $0x2  }
0x25: {  	s8 =	sadd.s32 $0x2000, s15;
	[dreg:$0x1d] =	wrdreg s25;
	s0 =	sadd.s32 s0, s4  }
0x26: {  	s23 =	simm.s32 $0x6B80;
	[dreg:$0x16] =	wrdreg s8;
	s24 =	sadd.s32 $0x80, s0  }
0x27: {  	s17 =	simm.s32 $0x0;
	s0 =	sadd.s32 $0x60, s0;
	[dreg:$0x1b] =	wrdreg s24  }
0x28: {  	v0 =	vimm.f32 $0.0e+00;
	s4 =	simm.s32 $0x7;
	[dreg:$0x1c] =	wrdreg s0;
	s0 =	simm.s32 $0xD  }
.LBB2_1:
0x29: {  	s6 =	simm.s32 $0x100  }
0x2a: {  	[tilespmem:s3], [sflag:$0x1] =	stream.strided.gather [hbm4b:s14+s12], $0x2700, s6, s12, $0x38;
	[tilespmem:$0x1E400] =	vst v63  }
0x2b: {  	s8 =	simm.s32 @!p2 $0x2700;
	s9 =	rddreg [dreg:$0xa];
	s6 =	simm.s32 @!p2 $0x0  }
0x2c: {  	[tilespmem:s8], [sflag:$0x2] =	stream.linear.gather @!p2 [hbm4b:s9+s6], $0x80, $0x38;
	[tilespmem:$0x1E400] =	vst v63  }
0x2d: {  	s6 =	simm.s32 @!p2 $0x2  }
0x2e: {  	_ =	swait.ge @!p2 [sflag:s6], $0x80  }
0x2f: {  	s25 =	sld [smem:$0x7FD];
	_ =	sdelay $0x2  }
0x30: {  	p1 =	seq.s32 s25, $0x1  }
.Ltmp0:
0x31: {  	_ = 	snop;
	(pc) =	sbr.rel @p1 .LBB2_3-.Ltmp0, $4  }
0x32: {  	_ = 	snop  }
0x33: {  	s20 =	stileid.u32;
	[sflag:s6] =	ssyncset.done @!p2 $0x0;
	s24 =	rddreg [dreg:$0xb]  }
0x34: {  	s8 =	rddreg [dreg:$0xd];
	[sflag:s6] =	ssyncadd.s32 @!p2 $0xFFFFFF80;
	s6 =	sshll.u32 s20, $0x6  }
0x35: {  	s11 =	sshrl.u32 s24, $0x3;
	s18 =	sshrl.u32 @!p0 s8, $0x3;
	s30 =	sor.u32 $0x1C0D, s6  }
0x36: {  	s6 =	rddreg [dreg:$0xe]  }
0x37: {  	[spmem:s11], [sflag:s30] =	dma.local [hbm:s6], $0x2700  }
0x38: {  	_ =	swait.ge [sflag:s0], $0x2700  }
0x39: {  	[sflag:s0] =	ssyncset.done $0x0  }
0x3a: {  	s6 =	rddreg [dreg:$0xf];
	[sflag:s0] =	ssyncadd.s32 $0xFFFFD900  }
0x3b: {  	[spmem:s18], [sflag:s30] =	dma.local @!p0 [hbm:s6], $0x100  }
.Ltmp1:
0x3c: {  	_ = 	snop;
	(pc) =	sbr.rel .LBB2_6-.Ltmp1, $4  }
0x3d: {  	s6 =	simm.s32 @!p0 $0xD  }
0x3e: {  	_ =	swait.ge @!p0 [sflag:s6], $0x100  }
0x3f: {  	[sflag:s6] =	ssyncset.done @!p0 $0x0  }
0x40: {  	[sflag:s6] =	ssyncadd.s32 @!p0 $0xFFFFFF00  }
.LBB2_3:
0x41: {  	s6 =	sand.u32 $0x7E00, s3  }
0x42: {  	s8 =	sand.u32 $0x70, s3;
	s9 =	sshrl.u32 s6, $0x2  }
0x43: {  	s6 =	simm.s32 $0x40;
	s9 =	sor.u32 s8, s9;
	s8 =	simm.s32 $0x0  }
.LBB2_4:
0x44: {  	p1 =	seq.s32 s6, $0x7FC0  }
0x45: {  	[tilespmem:s9+$0x2B80] =	vst v0;
	s8 =	sadd.s32 $0x10, s8;
	s9 =	smov.u32 s6;
	s6 =	sadd.s32 $0x40, s6  }
.Ltmp2:
0x46: {  	(pc) =	sbr.rel @!p1 .LBB2_4-.Ltmp2, $4  }
0x47: {  	_ = 	snop  }
0x48: {  	s9 =	sand.u32 $0x7E00, s9  }
0x49: {  	s10 =	sand.u32 $0x70, s8;
	s9 =	sshrl.u32 s9, $0x2  }
0x4a: {  	s9 =	sor.u32 s10, s9  }
0x4b: {  	[tilespmem:s9+$0x2B80] =	vst v0;
	s6 =	rddreg [dreg:$0xb]  }
0x4c: {  	[spmem:s6] =	stream.linear.scatter [tilespmem:s31], [sflag:$0xD], $0x2000, $0x38;
	[tilespmem:$0x1E400] =	vst v63  }
0x4d: {  	_ =	swait.ge [sflag:s0], $0x2000  }
0x4e: {  	[sflag:s0] =	ssyncset.done $0x0  }
0x4f: {  	s9 =	rddreg [dreg:$0x16];
	[sflag:s0] =	ssyncadd.s32 $0xFFFFE000  }
0x50: {  	[spmem:s9] =	stream.linear.scatter [tilespmem:s31], [sflag:$0xD], $0x2000, $0x38;
	[tilespmem:$0x1E400] =	vst v63  }
0x51: {  	_ =	swait.ge [sflag:s0], $0x2000  }
0x52: {  	[sflag:s0] =	ssyncset.done $0x0  }
0x53: {  	s10 =	rddreg [dreg:$0x17];
	[sflag:s0] =	ssyncadd.s32 $0xFFFFE000  }
0x54: {  	[spmem:s10] =	stream.linear.scatter [tilespmem:s31], [sflag:$0xD], $0x2000, $0x38;
	[tilespmem:$0x1E400] =	vst v63  }
0x55: {  	_ =	swait.ge [sflag:s0], $0x2000  }
0x56: {  	[sflag:s0] =	ssyncset.done $0x0  }
0x57: {  	s13 =	rddreg [dreg:$0x18];
	[sflag:s0] =	ssyncadd.s32 $0xFFFFE000  }
0x58: {  	[spmem:s13] =	stream.linear.scatter [tilespmem:s31], [sflag:$0xD], $0x2000, $0x38;
	[tilespmem:$0x1E400] =	vst v63  }
0x59: {  	_ =	swait.ge [sflag:s0], $0x2000  }
0x5a: {  	[sflag:s0] =	ssyncset.done $0x0  }
0x5b: {  	s15 =	rddreg [dreg:$0x19];
	[sflag:s0] =	ssyncadd.s32 $0xFFFFE000  }
0x5c: {  	[spmem:s15] =	stream.linear.scatter [tilespmem:s31], [sflag:$0xD], $0x2000, $0x38;
	[tilespmem:$0x1E400] =	vst v63  }
0x5d: {  	_ =	swait.ge [sflag:s0], $0x2000  }
0x5e: {  	[sflag:s0] =	ssyncset.done $0x0  }
0x5f: {  	s16 =	rddreg [dreg:$0x1a];
	[sflag:s0] =	ssyncadd.s32 $0xFFFFE000  }
0x60: {  	[spmem:s16] =	stream.linear.scatter [tilespmem:s31], [sflag:$0xD], $0x2000, $0x38;
	[tilespmem:$0x1E400] =	vst v63  }
0x61: {  	_ =	swait.ge [sflag:s0], $0x2000  }
0x62: {  	[sflag:s0] =	ssyncset.done $0x0  }
0x63: {  	s19 =	rddreg [dreg:$0x1d];
	[sflag:s0] =	ssyncadd.s32 $0xFFFFE000  }
0x64: {  	[spmem:s19] =	stream.linear.scatter [tilespmem:s31], [sflag:$0xD], $0x2000, $0x38;
	[tilespmem:$0x1E400] =	vst v63  }
0x65: {  	_ =	swait.ge [sflag:s0], $0x2000  }
0x66: {  	[sflag:s0] =	ssyncset.done $0x0  }
0x67: {  	s20 =	rddreg [dreg:$0x1e];
	[sflag:s0] =	ssyncadd.s32 $0xFFFFE000  }
0x68: {  	[spmem:s20] =	stream.linear.scatter [tilespmem:s31], [sflag:$0xD], $0x2000, $0x38;
	[tilespmem:$0x1E400] =	vst v63  }
0x69: {  	_ =	swait.ge [sflag:s0], $0x2000  }
0x6a: {  	[sflag:s0] =	ssyncset.done $0x0  }
0x6b: {  	s24 =	rddreg [dreg:$0x1f];
	[sflag:s0] =	ssyncadd.s32 $0xFFFFE000  }
0x6c: {  	[spmem:s24] =	stream.linear.scatter [tilespmem:s31], [sflag:$0xD], $0x2000, $0x38;
	[tilespmem:$0x1E400] =	vst v63  }
0x6d: {  	_ =	swait.ge [sflag:s0], $0x2000  }
0x6e: {  	[sflag:s0] =	ssyncset.done $0x0  }
0x6f: {  	s25 =	rddreg [dreg:$0xc];
	[sflag:s0] =	ssyncadd.s32 $0xFFFFE000  }
0x70: {  	[spmem:s25] =	stream.linear.scatter [tilespmem:s31], [sflag:$0xD], $0x1800, $0x38;
	[tilespmem:$0x1E400] =	vst v63  }
0x71: {  	_ =	swait.ge [sflag:s0], $0x1800  }
0x72: {  	[sflag:s0] =	ssyncset.done $0x0  }
0x73: {  	s6 =	simm.s32 @p3 $0x2B80;
	s8 =	rddreg [dreg:$0xd];
	[sflag:s0] =	ssyncadd.s32 $0xFFFFE800  }
0x74: {  	[spmem:s8] =	stream.linear.scatter @p3 [tilespmem:s6], [sflag:$0xD], $0x800, $0x38;
	[tilespmem:$0x1E400] =	vst v63  }
0x75: {  	s6 =	simm.s32 @p3 $0xD  }
0x76: {  	_ =	swait.ge @p3 [sflag:s6], $0x800  }
0x77: {  	[sflag:s6] =	ssyncset.done @p3 $0x0  }
0x78: {  	[sflag:s6] =	ssyncadd.s32 @p3 $0xFFFFF800  }
.LBB2_6:
0x79: {  	s6 =	simm.s32 $0x1  }
0x7a: {  	_ =	swait.ge [sflag:s6], $0x2700  }
0x7b: {  	[sflag:s6] =	ssyncset.done $0x0  }
0x7c: {  	s8 =	simm.s32 $0x2780;
	[sflag:s6] =	ssyncadd.s32 $0xFFFFD900  }
0x7d: {  	[tilespmem:s8], [sflag:$0x3] =	stream.linear.gather [hbm4b:s14+s3], $0x100, $0x38;
	[tilespmem:$0x1E400] =	vst v63  }
0x7e: {  	s9 =	simm.s32 $0x2880;
	s15 =	simm.s32 $0x3;
	s14 =	rddreg [dreg:$0x10]  }
0x7f: {  	[tilespmem:s9], [sflag:$0x4] =	stream.linear.gather [hbm4b:s14+s3], $0x100, $0x38;
	[tilespmem:$0x1E400] =	vst v63  }
0x80: {  	_ =	swait.ge [sflag:s15], $0x100  }
0x81: {  	[sflag:s15] =	ssyncset.done $0x0  }
0x82: {  	[sflag:s15] =	ssyncadd.s32 $0xFFFFFF00  }
0x83: {  	v1 =	vld [tilespmem:$0x2800]  }
0x84: {  	v2 =	vld [tilespmem:$0x2810]  }
0x85: {  	v3 =	vld [tilespmem:$0x2820]  }
0x86: {  	v4 =	vld [tilespmem:$0x2830]  }
0x87: {  	v5 =	vld [tilespmem:$0x2840]  }
0x88: {  	[tilespmem:$0x2980] =	vst v1;
	v1 =	vld [tilespmem:$0x2850]  }
0x89: {  	[tilespmem:$0x2990] =	vst v2;
	v2 =	vld [tilespmem:$0x2860]  }
0x8a: {  	[tilespmem:$0x29A0] =	vst v3;
	v3 =	vld [tilespmem:$0x2870]  }
0x8b: {  	[tilespmem:$0x29B0] =	vst v4  }
0x8c: {  	[tilespmem:$0x2A00] =	vst v5  }
0x8d: {  	[tilespmem:$0x2A10] =	vst v1  }
0x8e: {  	[tilespmem:$0x2A20] =	vst v2  }
0x8f: {  	s16 =	simm.s32 $0x4;
	[tilespmem:$0x2A30] =	vst v3  }
0x90: {  	_ =	swait.ge [sflag:s16], $0x100  }
0x91: {  	[sflag:s16] =	ssyncset.done $0x0  }
0x92: {  	[sflag:s16] =	ssyncadd.s32 $0xFFFFFF00  }
0x93: {  	v1 =	vld [tilespmem:$0x2900]  }
0x94: {  	v2 =	vld [tilespmem:$0x2910]  }
0x95: {  	v3 =	vld [tilespmem:$0x2920]  }
0x96: {  	v4 =	vld [tilespmem:$0x2930]  }
0x97: {  	v5 =	vld [tilespmem:$0x2940]  }
0x98: {  	[tilespmem:$0x2A80] =	vst v1;
	v1 =	vld [tilespmem:$0x2950]  }
0x99: {  	[tilespmem:$0x2A90] =	vst v2;
	v2 =	vld [tilespmem:$0x2960]  }
0x9a: {  	[tilespmem:$0x2AA0] =	vst v3;
	v3 =	vld [tilespmem:$0x2970]  }
0x9b: {  	[tilespmem:$0x2AB0] =	vst v4  }
0x9c: {  	[tilespmem:$0x2B00] =	vst v5  }
0x9d: {  	[tilespmem:$0x2B10] =	vst v1  }
0x9e: {  	[tilespmem:$0x2B20] =	vst v2  }
0x9f: {  	s19 =	rddreg [dreg:$0x11];
	[tilespmem:$0x2B30] =	vst v3  }
0xa0: {  	[tilespmem:s8], [sflag:$0x3] =	stream.linear.gather [hbm4b:s19+s3], $0x100, $0x38;
	[tilespmem:$0x1E400] =	vst v63  }
0xa1: {  	s20 =	rddreg [dreg:$0x12]  }
0xa2: {  	[tilespmem:s9], [sflag:$0x4] =	stream.linear.gather [hbm4b:s20+s3], $0x100, $0x38;
	[tilespmem:$0x1E400] =	vst v63  }
0xa3: {  	_ = 	snop  }
0xa4: {  	[tilespmem:s31], [sflag:$0x5] =	stream.indirect.gather [hbm4b:s1+s21], $0x80, s3, s21, $0xb8;
	[tilespmem:$0x1E400] =	vst v63  }
0xa5: {  	_ = 	snop  }
0xa6: {  	[tilespmem:s22], [sflag:$0x6] =	stream.indirect.gather [hbm4b:s1+s21], $0x80, s21, s21, $0xb8;
	[tilespmem:$0x1E400] =	vst v63  }
0xa7: {  	_ = 	snop  }
0xa8: {  	[tilespmem:s23], [sflag:$0x7] =	stream.indirect.gather [hbm4b:s1+s21], $0x80, s12, s21, $0xb8;
	[tilespmem:$0x1E400] =	vst v63  }
0xa9: {  	p1 =	por $0x1, $0x1;
	s12 =	simm.s32 $0xC0  }
0xaa: {  	[tilespmem:s26], [sflag:$0x8] =	stream.indirect.gather [hbm4b:s1+s21], $0x80, s12, s21, $0xb8;
	[tilespmem:$0x1E400] =	vst v63  }
0xab: {  	s6 =	simm.s32 @!p1 $0xC;
	[bflag:$0x0] =	sbarrier.arrive $0xFFFF  }
0xac: {  	_ =	swait.ge @!p1 [sflag:s6], $0x2000  }
0xad: {  	[sflag:s6] =	ssyncset.done @!p1 $0x0  }
0xae: {  	[sflag:s6] =	ssyncadd.s32 @!p1 $0xFFFFE000  }
0xaf: {  	v1 =	vld @!p1 [tilespmem:$0x2970]  }
0xb0: {  	v2 =	vld @!p1 [tilespmem:$0x2960]  }
0xb1: {  	v3 =	vld @!p1 [tilespmem:$0x2940]  }
0xb2: {  	v4 =	vld @!p1 [tilespmem:$0x2950];
	_ =	sdelay $0x1  }
0xb3: {  	[tilespmem:$0x2B30] =	vst @!p1 v1  }
0xb4: {  	p4 =	sle.u32 @!p1 s5, $0x6;
	[tilespmem:$0x2B20] =	vst @!p1 v2  }
0xb5: {  	p4 =	por p4, p1;
	[tilespmem:$0x2B00] =	vst @!p1 v3  }
0xb6: {  	s8 =	simm.s32 @!p4 $0x2880;
	s10 =	rddreg [dreg:$0x1c];
	s6 =	simm.s32 @!p4 $0x0;
	[tilespmem:$0x2B10] =	vst @!p1 v4  }
0xb7: {  	[tilespmem:s8], [sflag:$0x4] =	stream.linear.gather @!p4 [hbm4b:s10+s6], $0x100, $0x38;
	[tilespmem:$0x1E400] =	vst v63  }
0xb8: {  	s6 =	simm.s32 @!p1 $0x40;
	s8 =	simm.s32 @!p1 $0x8B80  }
0xb9: {  	[tilespmem:s8], [sflag:$0x8] =	stream.indirect.gather @!p1 [hbm4b:s1+s6], $0x80, s12, s6, $0xb8;
	[tilespmem:$0x1E400] =	vst v63  }
0xba: {  	_ =	swait.ge [sflag:s28], $0x2000  }
0xbb: {  	p1 =	sle.u32 s5, $0x4;
	[sflag:s28] =	ssyncset.done $0x0  }
0xbc: {  	s8 =	simm.s32 @!p1 $0x9;
	s24 =	rddreg [dreg:$0x5];
	[sflag:s28] =	ssyncadd.s32 $0xFFFFE000  }
0xbd: {  	[spmem:s2] =	stream.indirect.scatter.add.f32 [tilespmem:s31], [sflag:$0x9], $0x80, s24, s21, $0xb8;
	[tilespmem:$0x1E400] =	vst v63  }
0xbe: {  	_ =	swait.ge @!p1 [sflag:s8], $0x2000  }
0xbf: {  	[sflag:s8] =	ssyncset.done @!p1 $0x0  }
0xc0: {  	s6 =	simm.s32 @!p1 $0x3;
	[sflag:s8] =	ssyncadd.s32 @!p1 $0xFFFFE000  }
0xc1: {  	_ =	swait.ge @!p1 [sflag:s6], $0x100  }
0xc2: {  	[sflag:s6] =	ssyncset.done @!p1 $0x0  }
0xc3: {  	[sflag:s6] =	ssyncadd.s32 @!p1 $0xFFFFFF00  }
0xc4: {  	v1 =	vld @!p1 [tilespmem:$0x2800]  }
0xc5: {  	v2 =	vld @!p1 [tilespmem:$0x2810]  }
0xc6: {  	v3 =	vld @!p1 [tilespmem:$0x2820]  }
0xc7: {  	v4 =	vld @!p1 [tilespmem:$0x2830];
	_ =	sdelay $0x1  }
0xc8: {  	[tilespmem:$0x2980] =	vst @!p1 v1  }
0xc9: {  	[tilespmem:$0x2990] =	vst @!p1 v2  }
0xca: {  	[tilespmem:$0x29A0] =	vst @!p1 v3  }
0xcb: {  	s9 =	simm.s32 @!p1 $0x2B80;
	s8 =	simm.s32 @!p1 $0x40;
	s6 =	simm.s32 @!p1 $0x100;
	[tilespmem:$0x29B0] =	vst @!p1 v4  }
0xcc: {  	[tilespmem:s9], [sflag:$0x5] =	stream.indirect.gather @!p1 [hbm4b:s1+s8], $0x80, s6, s8, $0xb8;
	[tilespmem:$0x1E400] =	vst v63  }
0xcd: {  	_ =	swait.ge [sflag:s29], $0x2000  }
0xce: {  	p6 =	sle.u32 s5, $0x5;
	[sflag:s29] =	ssyncset.done $0x0  }
0xcf: {  	s8 =	simm.s32 @!p6 $0xA;
	s25 =	rddreg [dreg:$0x6];
	[sflag:s29] =	ssyncadd.s32 $0xFFFFE000  }
0xd0: {  	[spmem:s2] =	stream.indirect.scatter.add.f32 [tilespmem:s22], [sflag:$0xA], $0x80, s25, s21, $0xb8;
	[tilespmem:$0x1E400] =	vst v63  }
0xd1: {  	_ =	swait.ge @!p6 [sflag:s8], $0x2000  }
0xd2: {  	[sflag:s8] =	ssyncset.done @!p6 $0x0  }
0xd3: {  	[sflag:s8] =	ssyncadd.s32 @!p6 $0xFFFFE000  }
0xd4: {  	p5 =	sle.u32 s5, $0x6;
	s16 =	simm.s32 @!p6 $0x140;
	s20 =	sadd.s32 $0x40, s10;
	v2 =	vld @!p6 [tilespmem:$0x2850]  }
0xd5: {  	s10 =	simm.s32 $0xC0;
	p1 =	sle.u32 @!p6 s5, $0x8;
	s9 =	simm.s32 $0xC;
	v1 =	vld @!p6 [tilespmem:$0x2870]  }
0xd6: {  	s6 =	simm.s32 @!p6 $0x40;
	p1 =	por p1, p6;
	s24 =	rddreg [dreg:$0x1b];
	v3 =	vld @!p6 [tilespmem:$0x2840]  }
0xd7: {  	s15 =	simm.s32 @!p1 $0x0;
	s8 =	simm.s32 @!p1 $0x2780;
	s19 =	smov.u32 s24;
	v4 =	vld @!p6 [tilespmem:$0x2860]  }
.LBB2_7:
0xd8: {  	_ = 	snop  }
0xd9: {  	[tilespmem:$0x2A10] =	vst @!p6 v2  }
0xda: {  	[tilespmem:$0x2A30] =	vst @!p6 v1  }
0xdb: {  	[tilespmem:$0x2A00] =	vst @!p6 v3  }
0xdc: {  	[tilespmem:$0x2A20] =	vst @!p6 v4  }
0xdd: {  	[tilespmem:s8], [sflag:$0x3] =	stream.linear.gather @!p1 [hbm4b:s24+s15], $0x100, $0x38;
	[tilespmem:$0x1E400] =	vst v63  }
0xde: {  	s8 =	simm.s32 @!p6 $0x4B80  }
0xdf: {  	[tilespmem:s8], [sflag:$0x6] =	stream.indirect.gather @!p6 [hbm4b:s1+s6], $0x80, s16, s6, $0xb8;
	[tilespmem:$0x1E400] =	vst v63  }
0xe0: {  	_ =	swait.ge [sflag:s4], $0x2000  }
0xe1: {  	s14 =	smov.u32 s9;
	[sflag:s4] =	ssyncset.done $0x0  }
0xe2: {  	s8 =	simm.s32 @!p5 $0xB;
	s16 =	rddreg [dreg:$0x7];
	[sflag:s4] =	ssyncadd.s32 $0xFFFFE000  }
0xe3: {  	[spmem:s2] =	stream.indirect.scatter.add.f32 [tilespmem:s23], [sflag:$0xB], $0x80, s16, s21, $0xb8;
	[tilespmem:$0x1E400] =	vst v63  }
0xe4: {  	p6 =	seq.s32 s14, $0x8;
	_ =	swait.ge @!p5 [sflag:s8], $0x2000  }
0xe5: {  	s6 =	sadd.s32 @!p6 $0xFFFFFFFE, s14;
	[sflag:s8] =	ssyncset.done @!p5 $0x0  }
0xe6: {  	p1 =	sge.u32 @!p6 s6, s5;
	s6 =	simm.s32 @!p5 $0x4;
	[sflag:s8] =	ssyncadd.s32 @!p5 $0xFFFFE000  }
0xe7: {  	_ =	swait.ge @!p5 [sflag:s6], $0x100  }
0xe8: {  	[sflag:s6] =	ssyncset.done @!p5 $0x0  }
0xe9: {  	[sflag:s6] =	ssyncadd.s32 @!p5 $0xFFFFFF00  }
0xea: {  	v1 =	vld @!p5 [tilespmem:$0x2900]  }
0xeb: {  	v2 =	vld @!p5 [tilespmem:$0x2910]  }
0xec: {  	v3 =	vld @!p5 [tilespmem:$0x2930]  }
0xed: {  	v4 =	vld @!p5 [tilespmem:$0x2920];
	_ =	sdelay $0x1  }
0xee: {  	[tilespmem:$0x2A80] =	vst @!p5 v1  }
0xef: {  	[tilespmem:$0x2A90] =	vst @!p5 v2  }
0xf0: {  	[tilespmem:$0x2AB0] =	vst @!p5 v3  }
0xf1: {  	s8 =	simm.s32 @!p5 $0x40;
	s6 =	sadd.s32 @!p5 $0xC0, s10;
	s10 =	simm.s32 @!p5 $0x6B80;
	[tilespmem:$0x2AA0] =	vst @!p5 v4  }
0xf2: {  	[tilespmem:s10], [sflag:$0x7] =	stream.indirect.gather @!p5 [hbm4b:s1+s8], $0x80, s6, s8, $0xb8;
	[tilespmem:$0x1E400] =	vst v63  }
0xf3: {  	_ =	swait.ge [sflag:s7], $0x2000  }
0xf4: {  	[sflag:s7] =	ssyncset.done $0x0  }
0xf5: {  	s8 =	simm.s32 @!p6 $0xC;
	s25 =	rddreg [dreg:$0x8];
	[sflag:s7] =	ssyncadd.s32 $0xFFFFE000  }
0xf6: {  	[spmem:s2] =	stream.indirect.scatter.add.f32 [tilespmem:s26], [sflag:$0xC], $0x80, s25, s21, $0xb8;
	[tilespmem:$0x1E400] =	vst v63  }
0xf7: {  	_ =	swait.ge @!p6 [sflag:s8], $0x2000  }
0xf8: {  	[sflag:s8] =	ssyncset.done @!p6 $0x0  }
0xf9: {  	[sflag:s8] =	ssyncadd.s32 @!p6 $0xFFFFE000  }
0xfa: {  	v1 =	vld @!p6 [tilespmem:$0x2970]  }
0xfb: {  	v2 =	vld @!p6 [tilespmem:$0x2960]  }
0xfc: {  	v3 =	vld @!p6 [tilespmem:$0x2940]  }
0xfd: {  	v4 =	vld @!p6 [tilespmem:$0x2950];
	_ =	sdelay $0x1  }
0xfe: {  	[tilespmem:$0x2B30] =	vst @!p6 v1  }
0xff: {  	[tilespmem:$0x2B20] =	vst @!p6 v2  }
0x100: {  	p1 =	por p1, p6;
	[tilespmem:$0x2B00] =	vst @!p6 v3  }
0x101: {  	s6 =	simm.s32 @!p1 $0x0;
	s8 =	simm.s32 @!p1 $0x2880;
	[tilespmem:$0x2B10] =	vst @!p6 v4  }
0x102: {  	[tilespmem:s8], [sflag:$0x4] =	stream.linear.gather @!p1 [hbm4b:s20+s6], $0x100, $0x38;
	[tilespmem:$0x1E400] =	vst v63  }
0x103: {  	s12 =	sadd.s32 $0x100, s12;
	s6 =	simm.s32 @!p6 $0x40;
	s8 =	simm.s32 @!p6 $0x8B80  }
0x104: {  	[tilespmem:s8], [sflag:$0x8] =	stream.indirect.gather @!p6 [hbm4b:s1+s6], $0x80, s12, s6, $0xb8;
	[tilespmem:$0x1E400] =	vst v63  }
0x105: {  	s8 =	sadd.s32 $0xFFFFFFFC, s14;
	_ =	swait.ge [sflag:s28], $0x2000  }
0x106: {  	p5 =	sge.u32 s8, s5;
	[sflag:s28] =	ssyncset.done $0x0  }
0x107: {  	s13 =	rddreg [dreg:$0x5];
	s15 =	simm.s32 @!p5 $0x9;
	[sflag:s28] =	ssyncadd.s32 $0xFFFFE000  }
0x108: {  	[spmem:s2] =	stream.indirect.scatter.add.f32 [tilespmem:s31], [sflag:$0x9], $0x80, s13, s21, $0xb8;
	[tilespmem:$0x1E400] =	vst v63  }
0x109: {  	_ =	swait.ge @!p5 [sflag:s15], $0x2000  }
0x10a: {  	[sflag:s15] =	ssyncset.done @!p5 $0x0  }
0x10b: {  	s8 =	simm.s32 @!p5 $0x3;
	[sflag:s15] =	ssyncadd.s32 @!p5 $0xFFFFE000  }
0x10c: {  	_ =	swait.ge @!p5 [sflag:s8], $0x100  }
0x10d: {  	[sflag:s8] =	ssyncset.done @!p5 $0x0  }
0x10e: {  	[sflag:s8] =	ssyncadd.s32 @!p5 $0xFFFFFF00  }
0x10f: {  	v1 =	vld @!p5 [tilespmem:$0x2800]  }
0x110: {  	v2 =	vld @!p5 [tilespmem:$0x2810]  }
0x111: {  	v3 =	vld @!p5 [tilespmem:$0x2820]  }
0x112: {  	v4 =	vld @!p5 [tilespmem:$0x2830];
	_ =	sdelay $0x1  }
0x113: {  	[tilespmem:$0x2980] =	vst @!p5 v1  }
0x114: {  	s25 =	sadd.s32 $0xFFFFFFFD, s14;
	[tilespmem:$0x2990] =	vst @!p5 v2  }
0x115: {  	p6 =	sge.u32 s25, s5;
	[tilespmem:$0x29A0] =	vst @!p5 v3  }
0x116: {  	s6 =	sadd.s32 @!p5 $0x40, s12;
	s16 =	simm.s32 @!p5 $0x40;
	s25 =	simm.s32 @!p5 $0x2B80;
	[tilespmem:$0x29B0] =	vst @!p5 v4  }
0x117: {  	[tilespmem:s25], [sflag:$0x5] =	stream.indirect.gather @!p5 [hbm4b:s1+s16], $0x80, s6, s16, $0xb8;
	[tilespmem:$0x1E400] =	vst v63  }
0x118: {  	_ =	swait.ge [sflag:s29], $0x2000  }
0x119: {  	[sflag:s29] =	ssyncset.done $0x0  }
0x11a: {  	s13 =	simm.s32 @!p6 $0xA;
	s25 =	rddreg [dreg:$0x6];
	[sflag:s29] =	ssyncadd.s32 $0xFFFFE000  }
0x11b: {  	[spmem:s2] =	stream.indirect.scatter.add.f32 [tilespmem:s22], [sflag:$0xA], $0x80, s25, s21, $0xb8;
	[tilespmem:$0x1E400] =	vst v63  }
0x11c: {  	s9 =	sadd.s32 $0x4, s9;
	_ =	swait.ge @!p6 [sflag:s13], $0x2000  }
0x11d: {  	p4 =	sne.s32 s9, $0xA4;
	[sflag:s13] =	ssyncset.done @!p6 $0x0  }
.Ltmp3:
0x11e: {  	s19 =	sadd.s32 $0x40, s19;
	[sflag:s13] =	ssyncadd.s32 @!p6 $0xFFFFE000;
	(pc) =	sbr.rel @p4 .LBB2_7-.Ltmp3, $4  }
0x11f: {  	s24 =	smov.u32 s19;
	p1 =	sge.u32 @!p6 s14, s5;
	v2 =	vld @!p6 [tilespmem:$0x2850]  }
0x120: {  	s10 =	smov.u32 s12;
	s20 =	sadd.s32 $0x40, s20;
	p1 =	por p1, p6;
	v1 =	vld @!p6 [tilespmem:$0x2870]  }
0x121: {  	s14 =	sadd.s32 $0xFFFFFFFE, s14;
	s15 =	simm.s32 @!p1 $0x0;
	s8 =	simm.s32 @!p1 $0x2780;
	v3 =	vld @!p6 [tilespmem:$0x2840]  }
0x122: {  	s16 =	sadd.s32 @!p6 $0x80, s12;
	s6 =	simm.s32 @!p6 $0x40;
	p5 =	sge.u32 s14, s5;
	v4 =	vld @!p6 [tilespmem:$0x2860]  }
0x123: {  	_ = 	snop  }
0x124: {  	[tilespmem:$0x2A10] =	vst @!p6 v2  }
0x125: {  	[tilespmem:$0x2A30] =	vst @!p6 v1  }
0x126: {  	[tilespmem:$0x2A00] =	vst @!p6 v3  }
0x127: {  	[tilespmem:$0x2A20] =	vst @!p6 v4  }
0x128: {  	[tilespmem:s8], [sflag:$0x3] =	stream.linear.gather @!p1 [hbm4b:s24+s15], $0x100, $0x38;
	[tilespmem:$0x1E400] =	vst v63  }
0x129: {  	s8 =	simm.s32 @!p6 $0x4B80  }
0x12a: {  	[tilespmem:s8], [sflag:$0x6] =	stream.indirect.gather @!p6 [hbm4b:s1+s6], $0x80, s16, s6, $0xb8;
	[tilespmem:$0x1E400] =	vst v63  }
0x12b: {  	_ =	swait.ge [sflag:s4], $0x2000  }
0x12c: {  	[sflag:s4] =	ssyncset.done $0x0  }
0x12d: {  	s8 =	simm.s32 @!p5 $0xB;
	s14 =	rddreg [dreg:$0x7];
	[sflag:s4] =	ssyncadd.s32 $0xFFFFE000  }
0x12e: {  	[spmem:s2] =	stream.indirect.scatter.add.f32 [tilespmem:s23], [sflag:$0xB], $0x80, s14, s21, $0xb8;
	[tilespmem:$0x1E400] =	vst v63  }
0x12f: {  	_ =	swait.ge @!p5 [sflag:s8], $0x2000  }
0x130: {  	[sflag:s8] =	ssyncset.done @!p5 $0x0  }
0x131: {  	s6 =	simm.s32 @!p5 $0x4;
	[sflag:s8] =	ssyncadd.s32 @!p5 $0xFFFFE000  }
0x132: {  	_ =	swait.ge @!p5 [sflag:s6], $0x100  }
0x133: {  	[sflag:s6] =	ssyncset.done @!p5 $0x0  }
0x134: {  	[sflag:s6] =	ssyncadd.s32 @!p5 $0xFFFFFF00  }
0x135: {  	v1 =	vld @!p5 [tilespmem:$0x2900]  }
0x136: {  	v2 =	vld @!p5 [tilespmem:$0x2910]  }
0x137: {  	v3 =	vld @!p5 [tilespmem:$0x2930]  }
0x138: {  	v4 =	vld @!p5 [tilespmem:$0x2920];
	_ =	sdelay $0x1  }
0x139: {  	[tilespmem:$0x2A80] =	vst @!p5 v1  }
0x13a: {  	[tilespmem:$0x2A90] =	vst @!p5 v2  }
0x13b: {  	[tilespmem:$0x2AB0] =	vst @!p5 v3  }
0x13c: {  	s9 =	simm.s32 @!p5 $0x6B80;
	s8 =	simm.s32 @!p5 $0x40;
	s6 =	sadd.s32 @!p5 $0xC0, s10;
	[tilespmem:$0x2AA0] =	vst @!p5 v4  }
0x13d: {  	[tilespmem:s9], [sflag:$0x7] =	stream.indirect.gather @!p5 [hbm4b:s1+s8], $0x80, s6, s8, $0xb8;
	[tilespmem:$0x1E400] =	vst v63  }
0x13e: {  	_ =	swait.ge [sflag:s7], $0x2000  }
0x13f: {  	[sflag:s7] =	ssyncset.done $0x0  }
0x140: {  	s6 =	simm.s32 @!p2 $0x5;
	s15 =	rddreg [dreg:$0x8];
	[sflag:s7] =	ssyncadd.s32 $0xFFFFE000  }
0x141: {  	[spmem:s2] =	stream.indirect.scatter.add.f32 [tilespmem:s26], [sflag:$0xC], $0x80, s15, s21, $0xb8;
	[tilespmem:$0x1E400] =	vst v63  }
0x142: {  	_ =	swait.ge @!p2 [sflag:s6], $0x2000  }
0x143: {  	s8 =	simm.s32 @!p2 $0x2980;
	[sflag:s6] =	ssyncset.done @!p2 $0x0  }
0x144: {  	s9 =	simm.s32 @!p2 $0x2B80;
	[sflag:s6] =	ssyncadd.s32 @!p2 $0xFFFFE000;
	s6 =	simm.s32 @!p2 $0x40  }
0x145: {  	[spmem:s2] =	stream.indirect.scatter.add.f32 @!p2 [tilespmem:s9], [sflag:$0x9], $0x80, s8, s6, $0xb8;
	[tilespmem:$0x1E400] =	vst v63  }
0x146: {  	s8 =	simm.s32 @!p2 $0x6  }
0x147: {  	_ =	swait.ge @!p2 [sflag:s8], $0x2000  }
0x148: {  	s16 =	simm.s32 $0x9;
	[sflag:s8] =	ssyncset.done @!p2 $0x0  }
0x149: {  	s9 =	simm.s32 @!p2 $0x4B80;
	[sflag:s8] =	ssyncadd.s32 @!p2 $0xFFFFE000;
	s8 =	simm.s32 @!p2 $0x2A00  }
0x14a: {  	[spmem:s2] =	stream.indirect.scatter.add.f32 @!p2 [tilespmem:s9], [sflag:$0xA], $0x80, s8, s6, $0xb8;
	[tilespmem:$0x1E400] =	vst v63  }
0x14b: {  	_ =	swait.ge [sflag:s16], $0x2000  }
0x14c: {  	[sflag:s16] =	ssyncset.done $0x0  }
0x14d: {  	s19 =	simm.s32 $0xA;
	[sflag:s16] =	ssyncadd.s32 $0xFFFFE000  }
0x14e: {  	_ =	swait.ge [sflag:s19], $0x2000  }
0x14f: {  	[sflag:s19] =	ssyncset.done $0x0  }
0x150: {  	s20 =	simm.s32 $0xB;
	[sflag:s19] =	ssyncadd.s32 $0xFFFFE000  }
0x151: {  	_ =	swait.ge [sflag:s20], $0x2000  }
0x152: {  	[sflag:s20] =	ssyncset.done $0x0  }
0x153: {  	s24 =	simm.s32 $0xC;
	[sflag:s20] =	ssyncadd.s32 $0xFFFFE000  }
0x154: {  	_ =	swait.ge [sflag:s24], $0x2000  }
0x155: {  	[sflag:s24] =	ssyncset.done $0x0  }
0x156: {  	[sflag:s24] =	ssyncadd.s32 $0xFFFFE000  }
0x157: {  	[bflag:$0x0] =	sbarrier.arrive $0xFFFF  }
0x158: {  	s25 =	rddreg [dreg:$0x13]  }
0x159: {  	[hbm:s25], [sflag:s30] =	dma.local [spmem:s11], $0x2700  }
0x15a: {  	_ =	swait.ge [sflag:s0], $0x2700  }
0x15b: {  	[sflag:s0] =	ssyncset.done $0x0  }
0x15c: {  	s6 =	rddreg [dreg:$0x14];
	[sflag:s0] =	ssyncadd.s32 $0xFFFFD900  }
0x15d: {  	[hbm:s6], [sflag:s30] =	dma.local @!p0 [spmem:s18], $0x100  }
0x15e: {  	s6 =	simm.s32 @!p0 $0xD  }
0x15f: {  	_ =	swait.ge @!p0 [sflag:s6], $0x100  }
0x160: {  	s17 =	sadd.s32 $0x1, s17;
	s30 =	rddreg [dreg:$0x15]  }
0x161: {  	p1 =	sne.s32 s17, s30  }
.Ltmp4:
0x162: {  	_ = 	snop;
	(pc) =	sbr.rel @p1 .LBB2_1-.Ltmp4, $3  }
0x163: {  	_ =	sdelay $0x1  }
0x164: {  	[sflag:s6] =	ssyncset.done @!p0 $0x0  }
0x165: {  	s12 =	simm.s32 $0x80;
	s14 =	rddreg [dreg:$0x9];
	[sflag:s6] =	ssyncadd.s32 @!p0 $0xFFFFFF00  }
0x166: {  	_ =	sfence.sel $0x180000  }
0x167: {  	[bflag:$0x0] =	sbarrier.arrive $0xFFFF  }
0x168: {  	_ =	strace $0x9000004A  }
0x169: {  	[bflag:$0x2] =	sbarrier.arrive $0xFFFF  }
0x16a: {  	s0 =	rddreg [dreg:$0x4]  }
0x16b: {  	s0 =	sadd.s32 @!p0 $0x100000, s0  }
0x16c: {  	[sflag:s0] =	ssyncadd.tile.s32 @!p0 $0x1;
	_ =	shalt  }
.Lfunc_end2:
_tile_overlayer_lowered:
.L_overlay_start_2:
0x16d: {  	(tag) =	ssettag $0x2  }
0x16e: {  	s0 =	rddreg [dreg:$0x0];
	s2 =	stileid.u32  }
0x16f: {  	s1 =	rddreg [dreg:$0x1];
	p0 =	sne.s32 s2, $0x0  }
0x170: {  	s3 =	rddreg [dreg:$0x2];
	[bflag:$0x3] =	sbarrier.arrive $0xFFFF;
	s2 =	simm.s32 @!p0 $0x1C0D  }
0x171: {  	[timem:s3], [sflag:s2] =	dma.local @!p0 [hbm:s0], s1  }
0x172: {  	s0 =	simm.s32 @!p0 $0xD  }
0x173: {  	_ =	swait.ge @!p0 [sflag:s0], s1  }
0x174: {  	s1 =	ssub.s32 @!p0 $0x0, s1;
	[sflag:s0] =	ssyncset.done @!p0 $0x0  }
0x175: {  	[sflag:s0] =	ssyncadd.s32 @!p0 s1  }
0x176: {  	[bflag:$0x3] =	sbarrier.arrive $0xFFFF  }
0x177: {  	_ =	shalt  }

</sc_bundles>
